<compile_context>
chip_gen: v7x
topology: tpu7x:2x2x1
jax: 0.10.2.dev20260603
libtpu: 0.0.44.dev20260713+nightly
codegen_flags: <defaults>
</compile_context>

<pallas_src>
import jax
import jax.numpy as jnp
from jax import lax
from jax.experimental import pallas as pl
from jax.experimental.pallas import tpu as pltpu
from jax.experimental.pallas import tpu_sc as plsc

NC = 2
NS = 16
NW = NC * NS
CHUNK = 128


def _edge_spmm(y, src_p, dst_p, zeros, n_pad, ones_mode=False, kc=1):
    cpw = src_p.shape[1]
    nt = cpw // kc
    assert cpw % kc == 0 and (nt == 1 or nt % 2 == 0)
    cg = kc * CHUNK
    tail = y.shape[1:]
    rpt = n_pad // NS
    src_p = src_p.reshape(NW, nt, cg)
    dst_p = dst_p.reshape(NW, nt, cg)
    mesh = plsc.VectorSubcoreMesh(
        core_axis_name="c", subcore_axis_name="s",
        num_cores=NC, num_subcores=NS)

    def body(y_hbm, src_hbm, dst_hbm, z_hbm, fill_hbm, out_hbm,
             srcv, dstv, buf0, buf1, acc, tab, sem0, sem1):
        c = lax.axis_index("c")
        s = lax.axis_index("s")
        w = s * NC + c
        pltpu.sync_copy(z_hbm.at[pl.ds(s * rpt, rpt)],
                        acc.at[pl.ds(s * rpt, rpt)])
        if not ones_mode:
            pltpu.sync_copy(y_hbm.at[pl.ds(s * rpt, rpt)],
                            tab.at[pl.ds(s * rpt, rpt)])
        pltpu.sync_copy(src_hbm.at[w], srcv)
        pltpu.sync_copy(dst_hbm.at[w], dstv)
        if ones_mode:
            pltpu.sync_copy(fill_hbm, buf0)
        plsc.subcore_barrier()

        def gather(j, buf, sem):
            pltpu.async_copy(tab.at[srcv.at[j]], buf, sem)

        def wait(j, buf, sem):
            pltpu.make_async_copy(tab.at[srcv.at[j]], buf, sem).wait()

        def scat(j, buf):
            pltpu.sync_copy(buf, acc.at[dstv.at[j]], add=True)

        if ones_mode:
            def step(j, carry):
                scat(j, buf0)
                return carry
            lax.fori_loop(0, nt, step, 0)
        elif nt == 1:
            gather(0, buf0, sem0)
            wait(0, buf0, sem0)
            scat(0, buf0)
        else:
            gather(0, buf0, sem0)
            gather(1, buf1, sem1)

            def step(jj, carry):
                j0 = jj * 2
                wait(j0, buf0, sem0)
                scat(j0, buf0)

                @pl.when(j0 + 2 < nt)
                def _():
                    gather(j0 + 2, buf0, sem0)
                wait(j0 + 1, buf1, sem1)
                scat(j0 + 1, buf1)

                @pl.when(j0 + 3 < nt)
                def _():
                    gather(j0 + 3, buf1, sem1)
                return carry

            lax.fori_loop(0, nt // 2, step, 0)
        plsc.subcore_barrier()
        pltpu.sync_copy(acc.at[pl.ds(s * rpt, rpt)],
                        out_hbm.at[c].at[pl.ds(s * rpt, rpt)])

    fill = jnp.ones((cg,) + tail, jnp.float32) if ones_mode \
        else jnp.zeros((1,) * (1 + len(tail)), jnp.float32)
    f = pl.kernel(
        body,
        out_type=jax.ShapeDtypeStruct((NC, n_pad) + tail, jnp.float32),
        mesh=mesh,
        scratch_types=[
            pltpu.VMEM((nt, cg), jnp.int32),
            pltpu.VMEM((nt, cg), jnp.int32),
            pltpu.VMEM((cg,) + tail, jnp.float32),
            pltpu.VMEM((cg,) + tail, jnp.float32),
            pltpu.VMEM_SHARED((n_pad,) + tail, jnp.float32),
            pltpu.VMEM_SHARED(
                ((n_pad,) if not ones_mode else (128,)) + tail,
                jnp.float32),
            pltpu.SemaphoreType.DMA,
            pltpu.SemaphoreType.DMA,
        ],
        compiler_params=pltpu.CompilerParams(use_tc_tiling_on_sc=False),
    )
    return f(y, src_p, dst_p, zeros, fill)


def _tc_call(body, n, bn, in_shapes, out_w, args):
    specs = []
    for shp in in_shapes:
        if shp[0] == n:
            specs.append(pl.BlockSpec(
                (bn,) + shp[1:],
                lambda i, r=len(shp) - 1: (i,) + (0,) * r))
        else:
            specs.append(pl.BlockSpec(
                shp, lambda i, r=len(shp): (0,) * r))
    return pl.pallas_call(
        body,
        grid=(n // bn,),
        in_specs=specs,
        out_specs=pl.BlockSpec((bn, out_w), lambda i: (i, 0)),
        out_shape=jax.ShapeDtypeStruct((n, out_w), jnp.float32),
    )(*args)


def _tc_first(degPK, xpk, W1bd, n, bn):
    h2 = W1bd.shape[1]

    def body(deg_ref, x_ref, w_ref, out_ref):
        dinv = lax.rsqrt(deg_ref[...])
        out_ref[...] = dinv * jnp.dot(
            x_ref[...], w_ref[...], preferred_element_type=jnp.float32)

    return pl.pallas_call(
        body,
        grid=(n // bn,),
        in_specs=[pl.BlockSpec((bn // 2, h2), lambda i: (i, 0)),
                  pl.BlockSpec((bn // 2, xpk.shape[1]), lambda i: (i, 0)),
                  pl.BlockSpec(W1bd.shape, lambda i: (0, 0))],
        out_specs=pl.BlockSpec((bn // 2, h2), lambda i: (i, 0)),
        out_shape=jax.ShapeDtypeStruct((n // 2, h2), jnp.float32),
    )(degPK, xpk, W1bd)


def _tc_mid(degPK, Sp, yp, b_pk, Wbd, n, bn):
    h2 = Sp.shape[2]
    h = h2 // 2
    dout = Wbd.shape[1]

    def body(deg_ref, s_ref, y_ref, b_ref, w_ref, out_ref):
        dinv = lax.rsqrt(deg_ref[...])
        hv = jnp.maximum(
            dinv * (s_ref[0] + s_ref[1] + y_ref[...]) + b_ref[...], 0.0)
        o = jnp.dot(hv, w_ref[...], preferred_element_type=jnp.float32)
        if dout == h2:
            out_ref[...] = dinv * o
        else:
            dinv2 = jnp.concatenate(
                [dinv[:, 0:1], dinv[:, h:h + 1]], axis=1)
            out_ref[...] = dinv2 * o

    return pl.pallas_call(
        body,
        grid=(n // bn,),
        in_specs=[pl.BlockSpec((bn // 2, h2), lambda i: (i, 0)),
                  pl.BlockSpec((2, bn // 2, h2), lambda i: (0, i, 0)),
                  pl.BlockSpec((bn // 2, h2), lambda i: (i, 0)),
                  pl.BlockSpec(b_pk.shape, lambda i: (0, 0)),
                  pl.BlockSpec(Wbd.shape, lambda i: (0, 0))],
        out_specs=pl.BlockSpec((bn // 2, dout), lambda i: (i, 0)),
        out_shape=jax.ShapeDtypeStruct((n // 2, dout), jnp.float32),
    )(degPK, Sp, yp, b_pk, Wbd)


def _tc_head(degC, Sa, Sb, y3, b3, mW1, mb1, mW2, mb2, n, bn):
    def body(deg_ref, sa_ref, sb_ref, y_ref, b3_ref, w1_ref, b1_ref,
             w2_ref, b2_ref, out_ref):
        dinv = lax.rsqrt(deg_ref[...])
        h3 = dinv * (sa_ref[...] + sb_ref[...] + y_ref[...]) + b3_ref[...]
        t = jnp.maximum(h3 * w1_ref[...] + b1_ref[...], 0.0)
        out_ref[...] = jnp.dot(
            t, w2_ref[...], preferred_element_type=jnp.float32) + b2_ref[...]
    return _tc_call(
        body, n, bn,
        [degC.shape, Sa.shape, Sb.shape, y3.shape, b3.shape, mW1.shape,
         mb1.shape, mW2.shape, mb2.shape],
        1, (degC, Sa, Sb, y3, b3, mW1, mb1, mW2, mb2))


def kernel(x, edge_index, W1, b1, W2, b2, W3, b3, mW1, mb1, mW2, mb2):
    n = x.shape[0]
    e = edge_index.shape[1]
    bn = 2048
    epw = -(-e // (NW * CHUNK * 8)) * CHUNK * 8
    n_pad = -(-n // (NS * 128)) * (NS * 128)
    pad = NW * epw - e

    src = edge_index[0].astype(jnp.int32)
    dst = edge_index[1].astype(jnp.int32)
    src_p = jnp.concatenate(
        [src, jnp.zeros((pad,), jnp.int32)]).reshape(NW, epw // CHUNK, CHUNK)
    dst_pad_vals = n + jnp.arange(pad, dtype=jnp.int32) % (n_pad - n)
    dst_p = jnp.concatenate(
        [dst, dst_pad_vals]).reshape(NW, epw // CHUNK, CHUNK)

    h = W1.shape[1]
    zeros_h = jnp.zeros((n_pad, h), jnp.float32)
    zeros_1 = jnp.zeros((n_pad,), jnp.float32)
    dummy_y = jnp.zeros((n,), jnp.float32)

    cpw = epw // CHUNK
    degp = _edge_spmm(dummy_y, src_p, dst_p, zeros_1, n_pad,
                      ones_mode=True, kc=cpw)
    degsum = degp[0] + degp[1] + 1.0
    degPK = jnp.broadcast_to(
        degsum[:, None], (n_pad, h)).reshape(n_pad // 2, 2 * h)
    degC = degsum[:, None]

    zh = jnp.zeros_like(W1)
    W1bd = jnp.concatenate(
        [jnp.concatenate([W1, zh], 1), jnp.concatenate([zh, W1], 1)], 0)
    zh2 = jnp.zeros_like(W2)
    W2bd = jnp.concatenate(
        [jnp.concatenate([W2, zh2], 1), jnp.concatenate([zh2, W2], 1)], 0)
    z3 = jnp.zeros_like(W3)
    W3bd = jnp.concatenate(
        [jnp.concatenate([W3, z3], 1), jnp.concatenate([z3, W3], 1)], 0)
    b1pk = jnp.tile(b1, 2)[None]
    b2pk = jnp.tile(b2, 2)[None]

    xpk = jnp.pad(x, ((0, n_pad - n), (0, 0))).reshape(n_pad // 2, -1)
    y1p = _tc_first(degPK, xpk, W1bd, n_pad, bn)
    S1 = _edge_spmm(y1p.reshape(n_pad, h), src_p, dst_p, zeros_h, n_pad)
    y2p = _tc_mid(degPK, S1.reshape(NC, n_pad // 2, 2 * h), y1p,
                  b1pk, W2bd, n_pad, bn)
    S2 = _edge_spmm(y2p.reshape(n_pad, h), src_p, dst_p, zeros_h, n_pad)
    y3p = _tc_mid(degPK, S2.reshape(NC, n_pad // 2, 2 * h), y2p,
                  b2pk, W3bd, n_pad, bn)
    y3f = y3p.reshape(n_pad)
    S3 = _edge_spmm(y3f, src_p, dst_p, zeros_1, n_pad, kc=cpw)
    out = _tc_head(degC, S3[0][:, None], S3[1][:, None], y3f[:, None],
                   b3.reshape(1, 1), mW1, mb1.reshape(1, h), mW2,
                   mb2.reshape(1, 1), n_pad, bn)
    return out[:n]

# --- scband reference (transcript-rebuilt; emitter-appended) ---
"""Pipeline reference for scband-gnnmodel-2637109920399 (READ-ONLY COPY).

The authoritative reference and input builder live on the scoring server;
editing this copy changes nothing except your own understanding.
"""

import jax, jax.numpy as jnp
import numpy as np

N = 10000
E = 320000
D_IN = 128
H = 64
D_OUT = 1


def gcn_conv(x, edge_index, W, b):
    n = x.shape[0]
    loop = jnp.arange(n, dtype=edge_index.dtype)
    src = jnp.concatenate([edge_index[0], loop])
    dst = jnp.concatenate([edge_index[1], loop])
    deg = jnp.zeros((n,), dtype=x.dtype).at[dst].add(1.0)
    dinv = jax.lax.rsqrt(deg)
    norm = dinv[src] * dinv[dst]
    xw = x @ W
    msg = xw[src] * norm[:, None]
    out = jax.ops.segment_sum(msg, dst, num_segments=n)
    return out + b


def setup_inputs(seed: int = 0) -> dict:
    key = jax.random.key(seed)
    ks = jax.random.split(key, 12)
    x = jax.random.normal(ks[0], (N, D_IN), dtype=jnp.float32)
    edge_index = jax.random.randint(ks[1], (2, E), 0, N, dtype=jnp.int32)
    s1 = 1.0 / np.sqrt(D_IN)
    s2 = 1.0 / np.sqrt(H)
    sm = 1.0 / np.sqrt(D_OUT)
    W1 = jax.random.normal(ks[2], (D_IN, H), dtype=jnp.float32) * s1
    b1 = jnp.zeros((H,), dtype=jnp.float32)
    W2 = jax.random.normal(ks[3], (H, H), dtype=jnp.float32) * s2
    b2 = jnp.zeros((H,), dtype=jnp.float32)
    W3 = jax.random.normal(ks[4], (H, D_OUT), dtype=jnp.float32) * s2
    b3 = jnp.zeros((D_OUT,), dtype=jnp.float32)
    mW1 = jax.random.normal(ks[5], (D_OUT, H), dtype=jnp.float32) * sm
    mb1 = jnp.zeros((H,), dtype=jnp.float32)
    mW2 = jax.random.normal(ks[6], (H, D_OUT), dtype=jnp.float32) * s2
    mb2 = jnp.zeros((D_OUT,), dtype=jnp.float32)
    return {"x": x, "edge_index": edge_index, "W1": W1, "b1": b1, "W2": W2, "b2": b2, "W3": W3, "b3": b3, "mW1": mW1, "mb1": mb1, "mW2": mW2, "mb2": mb2}


def reference(x, edge_index, W1, b1, W2, b2, W3, b3, mW1, mb1, mW2, mb2):
    # input GCN layer + ReLU (dropout = identity in eval mode)
    h = jax.nn.relu(gcn_conv(x, edge_index, W1, b1))
    # one hidden GCN layer (num_layers=3 -> 1 hidden) + ReLU
    h = jax.nn.relu(gcn_conv(h, edge_index, W2, b2))
    # output GCN layer
    h = gcn_conv(h, edge_index, W3, b3)
    # MLP head: Linear -> ReLU -> (dropout identity) -> Linear
    h = jax.nn.relu(h @ mW1 + mb1)
    out = h @ mW2 + mb2
    return out

if __name__ == "__main__":
    import jax
    _d = setup_inputs()
    print(jax.jit(kernel)(*tuple(_d.values())))

</pallas_src>

<mosaic_0001>
#map = affine_map<(d0, d1) -> (0)>
#map1 = affine_map<(d0, d1) -> (0, 0, 0)>
#map2 = affine_map<(d0, d1) -> (0, 0)>
module attributes {stable_mosaic.version = 14 : i64} {
  func.func @body(%arg0: i32, %arg1: i32, %arg2: memref<10000xf32, #tpu.memory_space<hbm>>, %arg3: memref<32x1x10240xi32, #tpu.memory_space<hbm>>, %arg4: memref<32x1x10240xi32, #tpu.memory_space<hbm>>, %arg5: memref<10240xf32, #tpu.memory_space<hbm>>, %arg6: memref<10240xf32, #tpu.memory_space<hbm>>, %arg7: memref<2x10240xf32, #tpu.memory_space<hbm>>, %arg8: memref<1x10240xi32, #tpu.memory_space<vmem>>, %arg9: memref<1x10240xi32, #tpu.memory_space<vmem>>, %arg10: memref<10240xf32, #tpu.memory_space<vmem>>, %arg11: memref<10240xf32, #tpu.memory_space<vmem>>, %arg12: memref<10240xf32, #tpu.memory_space<vmem_shared>>, %arg13: memref<128xf32, #tpu.memory_space<vmem_shared>>, %arg14: memref<!tpu.dma_semaphore, #tpu.memory_space<semaphore_mem>>, %arg15: memref<!tpu.dma_semaphore, #tpu.memory_space<semaphore_mem>>) attributes {dimension_semantics = [#tpu.dimension_semantics<core_parallel>, #tpu.dimension_semantics<subcore_parallel>], iteration_bounds = array<i64: 2, 16>, scalar_prefetch = 0 : i64, scratch_operands = 8 : i64, tpu.core_type = #tpu.core_type<sc_vector_subcore>, window_params = [{transform_indices = #map}, {transform_indices = #map1}, {transform_indices = #map1}, {transform_indices = #map}, {transform_indices = #map}, {transform_indices = #map2}]} {
    %mul3A = arith.constant 2 : i32
    %mul3A_0 = arith.muli %arg1, %mul3A : i32
    %add3A = arith.addi %mul3A_0, %arg0 : i32
    %mul3A_1 = arith.constant 640 : i32
    %mul3A_2 = arith.muli %arg1, %mul3A_1 : i32
    %mul3A_3 = arith.constant 640 : i32
    %mul3A_4 = arith.muli %arg1, %mul3A_3 : i32
    "tpu.region"() ({
      %run_scoped3A = tpu.sem_alloc : memref<!tpu.dma_semaphore, #tpu.memory_space<semaphore_mem>>
      %dma_start3A = tpu.memref_slice %arg12[%mul3A_4] : memref<10240xf32, #tpu.memory_space<vmem_shared>> -> memref<640xf32, #tpu.memory_space<vmem_shared>>
      %dma_start3A_12 = tpu.memref_slice %arg5[%mul3A_2] : memref<10240xf32, #tpu.memory_space<hbm>> -> memref<640xf32, #tpu.memory_space<hbm>>
      tpu.enqueue_dma source(%dma_start3A_12 : memref<640xf32, #tpu.memory_space<hbm>>) target(%dma_start3A : memref<640xf32, #tpu.memory_space<vmem_shared>>) target_semaphore(%run_scoped3A : memref<!tpu.dma_semaphore, #tpu.memory_space<semaphore_mem>>)
      %dma_wait3A = tpu.memref_slice %arg12[%mul3A_4] : memref<10240xf32, #tpu.memory_space<vmem_shared>> -> memref<640xf32, #tpu.memory_space<vmem_shared>>
      %dma_wait3A_13 = tpu.memref_slice %arg5[%mul3A_2] : memref<10240xf32, #tpu.memory_space<hbm>> -> memref<640xf32, #tpu.memory_space<hbm>>
      tpu.wait_dma2 semaphore(%run_scoped3A : memref<!tpu.dma_semaphore, #tpu.memory_space<semaphore_mem>>) src(%dma_wait3A_13 : memref<640xf32, #tpu.memory_space<hbm>>) dst(%dma_wait3A : memref<640xf32, #tpu.memory_space<vmem_shared>>)
      tpu.yield
    }) : () -> ()
    "tpu.region"() ({
      %run_scoped3A = tpu.sem_alloc : memref<!tpu.dma_semaphore, #tpu.memory_space<semaphore_mem>>
      %dma_start3A = arith.constant 0 : i32
      %dma_start3A_12 = arith.constant 0 : i32
      %dma_start3A_13 = tpu.memref_slice %arg3[%add3A, %dma_start3A, %dma_start3A_12] : memref<32x1x10240xi32, #tpu.memory_space<hbm>> -> memref<1x1x10240xi32, #tpu.memory_space<hbm>>
      %dma_start3A_14 = tpu.memref_squeeze %dma_start3A_13 : memref<1x1x10240xi32, #tpu.memory_space<hbm>> -> memref<1x10240xi32, #tpu.memory_space<hbm>>
      %dma_start3A_15 = arith.constant 0 : i32
      %dma_start3A_16 = arith.constant 0 : i32
      %dma_start3A_17 = tpu.memref_slice %arg3[%add3A, %dma_start3A_15, %dma_start3A_16] : memref<32x1x10240xi32, #tpu.memory_space<hbm>> -> memref<1x1x10240xi32, #tpu.memory_space<hbm>>
      %dma_start3A_18 = tpu.memref_squeeze %dma_start3A_17 : memref<1x1x10240xi32, #tpu.memory_space<hbm>> -> memref<1x10240xi32, #tpu.memory_space<hbm>>
      tpu.enqueue_dma source(%dma_start3A_18 : memref<1x10240xi32, #tpu.memory_space<hbm>>) target(%arg8 : memref<1x10240xi32, #tpu.memory_space<vmem>>) target_semaphore(%run_scoped3A : memref<!tpu.dma_semaphore, #tpu.memory_space<semaphore_mem>>)
      %dma_wait3A = arith.constant 0 : i32
      %dma_wait3A_19 = arith.constant 0 : i32
      %dma_wait3A_20 = tpu.memref_slice %arg3[%add3A, %dma_wait3A, %dma_wait3A_19] : memref<32x1x10240xi32, #tpu.memory_space<hbm>> -> memref<1x1x10240xi32, #tpu.memory_space<hbm>>
      %dma_wait3A_21 = tpu.memref_squeeze %dma_wait3A_20 : memref<1x1x10240xi32, #tpu.memory_space<hbm>> -> memref<1x10240xi32, #tpu.memory_space<hbm>>
      %dma_wait3A_22 = arith.constant 0 : i32
      %dma_wait3A_23 = arith.constant 0 : i32
      %dma_wait3A_24 = tpu.memref_slice %arg3[%add3A, %dma_wait3A_22, %dma_wait3A_23] : memref<32x1x10240xi32, #tpu.memory_space<hbm>> -> memref<1x1x10240xi32, #tpu.memory_space<hbm>>
      %dma_wait3A_25 = tpu.memref_squeeze %dma_wait3A_24 : memref<1x1x10240xi32, #tpu.memory_space<hbm>> -> memref<1x10240xi32, #tpu.memory_space<hbm>>
      tpu.wait_dma2 semaphore(%run_scoped3A : memref<!tpu.dma_semaphore, #tpu.memory_space<semaphore_mem>>) src(%dma_wait3A_25 : memref<1x10240xi32, #tpu.memory_space<hbm>>) dst(%arg8 : memref<1x10240xi32, #tpu.memory_space<vmem>>)
      tpu.yield
    }) : () -> ()
    "tpu.region"() ({
      %run_scoped3A = tpu.sem_alloc : memref<!tpu.dma_semaphore, #tpu.memory_space<semaphore_mem>>
      %dma_start3A = arith.constant 0 : i32
      %dma_start3A_12 = arith.constant 0 : i32
      %dma_start3A_13 = tpu.memref_slice %arg4[%add3A, %dma_start3A, %dma_start3A_12] : memref<32x1x10240xi32, #tpu.memory_space<hbm>> -> memref<1x1x10240xi32, #tpu.memory_space<hbm>>
      %dma_start3A_14 = tpu.memref_squeeze %dma_start3A_13 : memref<1x1x10240xi32, #tpu.memory_space<hbm>> -> memref<1x10240xi32, #tpu.memory_space<hbm>>
      %dma_start3A_15 = arith.constant 0 : i32
      %dma_start3A_16 = arith.constant 0 : i32
      %dma_start3A_17 = tpu.memref_slice %arg4[%add3A, %dma_start3A_15, %dma_start3A_16] : memref<32x1x10240xi32, #tpu.memory_space<hbm>> -> memref<1x1x10240xi32, #tpu.memory_space<hbm>>
      %dma_start3A_18 = tpu.memref_squeeze %dma_start3A_17 : memref<1x1x10240xi32, #tpu.memory_space<hbm>> -> memref<1x10240xi32, #tpu.memory_space<hbm>>
      tpu.enqueue_dma source(%dma_start3A_18 : memref<1x10240xi32, #tpu.memory_space<hbm>>) target(%arg9 : memref<1x10240xi32, #tpu.memory_space<vmem>>) target_semaphore(%run_scoped3A : memref<!tpu.dma_semaphore, #tpu.memory_space<semaphore_mem>>)
      %dma_wait3A = arith.constant 0 : i32
      %dma_wait3A_19 = arith.constant 0 : i32
      %dma_wait3A_20 = tpu.memref_slice %arg4[%add3A, %dma_wait3A, %dma_wait3A_19] : memref<32x1x10240xi32, #tpu.memory_space<hbm>> -> memref<1x1x10240xi32, #tpu.memory_space<hbm>>
      %dma_wait3A_21 = tpu.memref_squeeze %dma_wait3A_20 : memref<1x1x10240xi32, #tpu.memory_space<hbm>> -> memref<1x10240xi32, #tpu.memory_space<hbm>>
      %dma_wait3A_22 = arith.constant 0 : i32
      %dma_wait3A_23 = arith.constant 0 : i32
      %dma_wait3A_24 = tpu.memref_slice %arg4[%add3A, %dma_wait3A_22, %dma_wait3A_23] : memref<32x1x10240xi32, #tpu.memory_space<hbm>> -> memref<1x1x10240xi32, #tpu.memory_space<hbm>>
      %dma_wait3A_25 = tpu.memref_squeeze %dma_wait3A_24 : memref<1x1x10240xi32, #tpu.memory_space<hbm>> -> memref<1x10240xi32, #tpu.memory_space<hbm>>
      tpu.wait_dma2 semaphore(%run_scoped3A : memref<!tpu.dma_semaphore, #tpu.memory_space<semaphore_mem>>) src(%dma_wait3A_25 : memref<1x10240xi32, #tpu.memory_space<hbm>>) dst(%arg9 : memref<1x10240xi32, #tpu.memory_space<vmem>>)
      tpu.yield
    }) : () -> ()
    "tpu.region"() ({
      %run_scoped3A = tpu.sem_alloc : memref<!tpu.dma_semaphore, #tpu.memory_space<semaphore_mem>>
      tpu.enqueue_dma source(%arg6 : memref<10240xf32, #tpu.memory_space<hbm>>) target(%arg10 : memref<10240xf32, #tpu.memory_space<vmem>>) target_semaphore(%run_scoped3A : memref<!tpu.dma_semaphore, #tpu.memory_space<semaphore_mem>>)
      tpu.wait_dma2 semaphore(%run_scoped3A : memref<!tpu.dma_semaphore, #tpu.memory_space<semaphore_mem>>) src(%arg6 : memref<10240xf32, #tpu.memory_space<hbm>>) dst(%arg10 : memref<10240xf32, #tpu.memory_space<vmem>>)
      tpu.yield
    }) : () -> ()
    %barrier3A = arith.constant 0 : index
    tpu.barrier barrier_id(%barrier3A)
    %scan3A = arith.constant 0 : i32
    %scan3A_5 = arith.constant 0 : i32
    "tpu.region"() ({
      %run_scoped3A = tpu.sem_alloc : memref<!tpu.dma_semaphore, #tpu.memory_space<semaphore_mem>>
      %dma_start3A = arith.constant 0 : i32
      %dma_start3A_12 = tpu.memref_slice %arg9[%scan3A_5, %dma_start3A] : memref<1x10240xi32, #tpu.memory_space<vmem>> -> memref<1x10240xi32, #tpu.memory_space<vmem>>
      %dma_start3A_13 = tpu.memref_squeeze %dma_start3A_12 : memref<1x10240xi32, #tpu.memory_space<vmem>> -> memref<10240xi32, #tpu.memory_space<vmem>>
      %dma_start3A_14 = arith.constant 0 : i32
      %dma_start3A_15 = tpu.memref_slice %arg12[%dma_start3A_14] : memref<10240xf32, #tpu.memory_space<vmem_shared>> -> memref<10240xf32, #tpu.memory_space<vmem_shared>>
      tpu.enqueue_indirect_dma source(%arg10 : memref<10240xf32, #tpu.memory_space<vmem>>) target(%dma_start3A_15 : memref<10240xf32, #tpu.memory_space<vmem_shared>>) offsets(%dma_start3A_13 : memref<10240xi32, #tpu.memory_space<vmem>>) semaphore(%run_scoped3A : memref<!tpu.dma_semaphore, #tpu.memory_space<semaphore_mem>>) {add = true}
      %dma_wait3A = arith.constant 0 : i32
      %dma_wait3A_16 = tpu.memref_slice %arg9[%scan3A_5, %dma_wait3A] : memref<1x10240xi32, #tpu.memory_space<vmem>> -> memref<1x10240xi32, #tpu.memory_space<vmem>>
      %dma_wait3A_17 = tpu.memref_squeeze %dma_wait3A_16 : memref<1x10240xi32, #tpu.memory_space<vmem>> -> memref<10240xi32, #tpu.memory_space<vmem>>
      %dma_wait3A_18 = arith.constant 0 : i32
      %dma_wait3A_19 = tpu.memref_slice %arg12[%dma_wait3A_18] : memref<10240xf32, #tpu.memory_space<vmem_shared>> -> memref<10240xf32, #tpu.memory_space<vmem_shared>>
      tpu.wait_indirect_dma semaphore(%run_scoped3A : memref<!tpu.dma_semaphore, #tpu.memory_space<semaphore_mem>>) src(%arg10 : memref<10240xf32, #tpu.memory_space<vmem>>) dst(%dma_wait3A_19 : memref<10240xf32, #tpu.memory_space<vmem_shared>>)
      tpu.yield
    }) : () -> ()
    %scan3A_6 = arith.constant 1 : i32
    %barrier3A_7 = arith.constant 0 : index
    tpu.barrier barrier_id(%barrier3A_7)
    %mul3A_8 = arith.constant 640 : i32
    %mul3A_9 = arith.muli %arg1, %mul3A_8 : i32
    %mul3A_10 = arith.constant 640 : i32
    %mul3A_11 = arith.muli %arg1, %mul3A_10 : i32
    "tpu.region"() ({
      %run_scoped3A = tpu.sem_alloc : memref<!tpu.dma_semaphore, #tpu.memory_space<semaphore_mem>>
      %dma_start3A = arith.constant 0 : i32
      %dma_start3A_12 = tpu.memref_slice %arg7[%arg0, %dma_start3A] : memref<2x10240xf32, #tpu.memory_space<hbm>> -> memref<1x10240xf32, #tpu.memory_space<hbm>>
      %dma_start3A_13 = tpu.memref_squeeze %dma_start3A_12 : memref<1x10240xf32, #tpu.memory_space<hbm>> -> memref<10240xf32, #tpu.memory_space<hbm>>
      %dma_start3A_14 = tpu.memref_slice %dma_start3A_13[%mul3A_11] : memref<10240xf32, #tpu.memory_space<hbm>> -> memref<640xf32, #tpu.memory_space<hbm>>
      %dma_start3A_15 = tpu.memref_slice %arg12[%mul3A_9] : memref<10240xf32, #tpu.memory_space<vmem_shared>> -> memref<640xf32, #tpu.memory_space<vmem_shared>>
      tpu.enqueue_dma source(%dma_start3A_15 : memref<640xf32, #tpu.memory_space<vmem_shared>>) target(%dma_start3A_14 : memref<640xf32, #tpu.memory_space<hbm>>) target_semaphore(%run_scoped3A : memref<!tpu.dma_semaphore, #tpu.memory_space<semaphore_mem>>)
      %dma_wait3A = arith.constant 0 : i32
      %dma_wait3A_16 = tpu.memref_slice %arg7[%arg0, %dma_wait3A] : memref<2x10240xf32, #tpu.memory_space<hbm>> -> memref<1x10240xf32, #tpu.memory_space<hbm>>
      %dma_wait3A_17 = tpu.memref_squeeze %dma_wait3A_16 : memref<1x10240xf32, #tpu.memory_space<hbm>> -> memref<10240xf32, #tpu.memory_space<hbm>>
      %dma_wait3A_18 = tpu.memref_slice %dma_wait3A_17[%mul3A_11] : memref<10240xf32, #tpu.memory_space<hbm>> -> memref<640xf32, #tpu.memory_space<hbm>>
      %dma_wait3A_19 = tpu.memref_slice %arg12[%mul3A_9] : memref<10240xf32, #tpu.memory_space<vmem_shared>> -> memref<640xf32, #tpu.memory_space<vmem_shared>>
      tpu.wait_dma2 semaphore(%run_scoped3A : memref<!tpu.dma_semaphore, #tpu.memory_space<semaphore_mem>>) src(%dma_wait3A_19 : memref<640xf32, #tpu.memory_space<vmem_shared>>) dst(%dma_wait3A_18 : memref<640xf32, #tpu.memory_space<hbm>>)
      tpu.yield
    }) : () -> ()
    return
  }
}

#map = affine_map<(d0, d1) -> (0)>
#map1 = affine_map<(d0, d1) -> (0, 0, 0)>
#map2 = affine_map<(d0, d1) -> (0, 0)>
module attributes {stable_mosaic.version = 14 : i64} {
  func.func @body(%arg0: i32, %arg1: i32, %arg2: memref<10240xf32, #tpu.memory_space<hbm>>, %arg3: memref<32x1x10240xi32, #tpu.memory_space<hbm>>, %arg4: memref<32x1x10240xi32, #tpu.memory_space<hbm>>, %arg5: memref<10240xf32, #tpu.memory_space<hbm>>, %arg6: memref<1xf32, #tpu.memory_space<hbm>>, %arg7: memref<2x10240xf32, #tpu.memory_space<hbm>>, %arg8: memref<1x10240xi32, #tpu.memory_space<vmem>>, %arg9: memref<1x10240xi32, #tpu.memory_space<vmem>>, %arg10: memref<10240xf32, #tpu.memory_space<vmem>>, %arg11: memref<10240xf32, #tpu.memory_space<vmem>>, %arg12: memref<10240xf32, #tpu.memory_space<vmem_shared>>, %arg13: memref<10240xf32, #tpu.memory_space<vmem_shared>>, %arg14: memref<!tpu.dma_semaphore, #tpu.memory_space<semaphore_mem>>, %arg15: memref<!tpu.dma_semaphore, #tpu.memory_space<semaphore_mem>>) attributes {dimension_semantics = [#tpu.dimension_semantics<core_parallel>, #tpu.dimension_semantics<subcore_parallel>], iteration_bounds = array<i64: 2, 16>, scalar_prefetch = 0 : i64, scratch_operands = 8 : i64, tpu.core_type = #tpu.core_type<sc_vector_subcore>, window_params = [{transform_indices = #map}, {transform_indices = #map1}, {transform_indices = #map1}, {transform_indices = #map}, {transform_indices = #map}, {transform_indices = #map2}]} {
    %mul3A = arith.constant 2 : i32
    %mul3A_0 = arith.muli %arg1, %mul3A : i32
    %add3A = arith.addi %mul3A_0, %arg0 : i32
    %mul3A_1 = arith.constant 640 : i32
    %mul3A_2 = arith.muli %arg1, %mul3A_1 : i32
    %mul3A_3 = arith.constant 640 : i32
    %mul3A_4 = arith.muli %arg1, %mul3A_3 : i32
    "tpu.region"() ({
      %run_scoped3A_24 = tpu.sem_alloc : memref<!tpu.dma_semaphore, #tpu.memory_space<semaphore_mem>>
      %dma_start3A_25 = tpu.memref_slice %arg12[%mul3A_4] : memref<10240xf32, #tpu.memory_space<vmem_shared>> -> memref<640xf32, #tpu.memory_space<vmem_shared>>
      %dma_start3A_26 = tpu.memref_slice %arg5[%mul3A_2] : memref<10240xf32, #tpu.memory_space<hbm>> -> memref<640xf32, #tpu.memory_space<hbm>>
      tpu.enqueue_dma source(%dma_start3A_26 : memref<640xf32, #tpu.memory_space<hbm>>) target(%dma_start3A_25 : memref<640xf32, #tpu.memory_space<vmem_shared>>) target_semaphore(%run_scoped3A_24 : memref<!tpu.dma_semaphore, #tpu.memory_space<semaphore_mem>>)
      %dma_wait3A_27 = tpu.memref_slice %arg12[%mul3A_4] : memref<10240xf32, #tpu.memory_space<vmem_shared>> -> memref<640xf32, #tpu.memory_space<vmem_shared>>
      %dma_wait3A_28 = tpu.memref_slice %arg5[%mul3A_2] : memref<10240xf32, #tpu.memory_space<hbm>> -> memref<640xf32, #tpu.memory_space<hbm>>
      tpu.wait_dma2 semaphore(%run_scoped3A_24 : memref<!tpu.dma_semaphore, #tpu.memory_space<semaphore_mem>>) src(%dma_wait3A_28 : memref<640xf32, #tpu.memory_space<hbm>>) dst(%dma_wait3A_27 : memref<640xf32, #tpu.memory_space<vmem_shared>>)
      tpu.yield
    }) : () -> ()
    %mul3A_5 = arith.constant 640 : i32
    %mul3A_6 = arith.muli %arg1, %mul3A_5 : i32
    %mul3A_7 = arith.constant 640 : i32
    %mul3A_8 = arith.muli %arg1, %mul3A_7 : i32
    "tpu.region"() ({
      %run_scoped3A_24 = tpu.sem_alloc : memref<!tpu.dma_semaphore, #tpu.memory_space<semaphore_mem>>
      %dma_start3A_25 = tpu.memref_slice %arg13[%mul3A_8] : memref<10240xf32, #tpu.memory_space<vmem_shared>> -> memref<640xf32, #tpu.memory_space<vmem_shared>>
      %dma_start3A_26 = tpu.memref_slice %arg2[%mul3A_6] : memref<10240xf32, #tpu.memory_space<hbm>> -> memref<640xf32, #tpu.memory_space<hbm>>
      tpu.enqueue_dma source(%dma_start3A_26 : memref<640xf32, #tpu.memory_space<hbm>>) target(%dma_start3A_25 : memref<640xf32, #tpu.memory_space<vmem_shared>>) target_semaphore(%run_scoped3A_24 : memref<!tpu.dma_semaphore, #tpu.memory_space<semaphore_mem>>)
      %dma_wait3A_27 = tpu.memref_slice %arg13[%mul3A_8] : memref<10240xf32, #tpu.memory_space<vmem_shared>> -> memref<640xf32, #tpu.memory_space<vmem_shared>>
      %dma_wait3A_28 = tpu.memref_slice %arg2[%mul3A_6] : memref<10240xf32, #tpu.memory_space<hbm>> -> memref<640xf32, #tpu.memory_space<hbm>>
      tpu.wait_dma2 semaphore(%run_scoped3A_24 : memref<!tpu.dma_semaphore, #tpu.memory_space<semaphore_mem>>) src(%dma_wait3A_28 : memref<640xf32, #tpu.memory_space<hbm>>) dst(%dma_wait3A_27 : memref<640xf32, #tpu.memory_space<vmem_shared>>)
      tpu.yield
    }) : () -> ()
    "tpu.region"() ({
      %run_scoped3A_24 = tpu.sem_alloc : memref<!tpu.dma_semaphore, #tpu.memory_space<semaphore_mem>>
      %dma_start3A_25 = arith.constant 0 : i32
      %dma_start3A_26 = arith.constant 0 : i32
      %dma_start3A_27 = tpu.memref_slice %arg3[%add3A, %dma_start3A_25, %dma_start3A_26] : memref<32x1x10240xi32, #tpu.memory_space<hbm>> -> memref<1x1x10240xi32, #tpu.memory_space<hbm>>
      %dma_start3A_28 = tpu.memref_squeeze %dma_start3A_27 : memref<1x1x10240xi32, #tpu.memory_space<hbm>> -> memref<1x10240xi32, #tpu.memory_space<hbm>>
      %dma_start3A_29 = arith.constant 0 : i32
      %dma_start3A_30 = arith.constant 0 : i32
      %dma_start3A_31 = tpu.memref_slice %arg3[%add3A, %dma_start3A_29, %dma_start3A_30] : memref<32x1x10240xi32, #tpu.memory_space<hbm>> -> memref<1x1x10240xi32, #tpu.memory_space<hbm>>
      %dma_start3A_32 = tpu.memref_squeeze %dma_start3A_31 : memref<1x1x10240xi32, #tpu.memory_space<hbm>> -> memref<1x10240xi32, #tpu.memory_space<hbm>>
      tpu.enqueue_dma source(%dma_start3A_32 : memref<1x10240xi32, #tpu.memory_space<hbm>>) target(%arg8 : memref<1x10240xi32, #tpu.memory_space<vmem>>) target_semaphore(%run_scoped3A_24 : memref<!tpu.dma_semaphore, #tpu.memory_space<semaphore_mem>>)
      %dma_wait3A_33 = arith.constant 0 : i32
      %dma_wait3A_34 = arith.constant 0 : i32
      %dma_wait3A_35 = tpu.memref_slice %arg3[%add3A, %dma_wait3A_33, %dma_wait3A_34] : memref<32x1x10240xi32, #tpu.memory_space<hbm>> -> memref<1x1x10240xi32, #tpu.memory_space<hbm>>
      %dma_wait3A_36 = tpu.memref_squeeze %dma_wait3A_35 : memref<1x1x10240xi32, #tpu.memory_space<hbm>> -> memref<1x10240xi32, #tpu.memory_space<hbm>>
      %dma_wait3A_37 = arith.constant 0 : i32
      %dma_wait3A_38 = arith.constant 0 : i32
      %dma_wait3A_39 = tpu.memref_slice %arg3[%add3A, %dma_wait3A_37, %dma_wait3A_38] : memref<32x1x10240xi32, #tpu.memory_space<hbm>> -> memref<1x1x10240xi32, #tpu.memory_space<hbm>>
      %dma_wait3A_40 = tpu.memref_squeeze %dma_wait3A_39 : memref<1x1x10240xi32, #tpu.memory_space<hbm>> -> memref<1x10240xi32, #tpu.memory_space<hbm>>
      tpu.wait_dma2 semaphore(%run_scoped3A_24 : memref<!tpu.dma_semaphore, #tpu.memory_space<semaphore_mem>>) src(%dma_wait3A_40 : memref<1x10240xi32, #tpu.memory_space<hbm>>) dst(%arg8 : memref<1x10240xi32, #tpu.memory_space<vmem>>)
      tpu.yield
    }) : () -> ()
    "tpu.region"() ({
      %run_scoped3A_24 = tpu.sem_alloc : memref<!tpu.dma_semaphore, #tpu.memory_space<semaphore_mem>>
      %dma_start3A_25 = arith.constant 0 : i32
      %dma_start3A_26 = arith.constant 0 : i32
      %dma_start3A_27 = tpu.memref_slice %arg4[%add3A, %dma_start3A_25, %dma_start3A_26] : memref<32x1x10240xi32, #tpu.memory_space<hbm>> -> memref<1x1x10240xi32, #tpu.memory_space<hbm>>
      %dma_start3A_28 = tpu.memref_squeeze %dma_start3A_27 : memref<1x1x10240xi32, #tpu.memory_space<hbm>> -> memref<1x10240xi32, #tpu.memory_space<hbm>>
      %dma_start3A_29 = arith.constant 0 : i32
      %dma_start3A_30 = arith.constant 0 : i32
      %dma_start3A_31 = tpu.memref_slice %arg4[%add3A, %dma_start3A_29, %dma_start3A_30] : memref<32x1x10240xi32, #tpu.memory_space<hbm>> -> memref<1x1x10240xi32, #tpu.memory_space<hbm>>
      %dma_start3A_32 = tpu.memref_squeeze %dma_start3A_31 : memref<1x1x10240xi32, #tpu.memory_space<hbm>> -> memref<1x10240xi32, #tpu.memory_space<hbm>>
      tpu.enqueue_dma source(%dma_start3A_32 : memref<1x10240xi32, #tpu.memory_space<hbm>>) target(%arg9 : memref<1x10240xi32, #tpu.memory_space<vmem>>) target_semaphore(%run_scoped3A_24 : memref<!tpu.dma_semaphore, #tpu.memory_space<semaphore_mem>>)
      %dma_wait3A_33 = arith.constant 0 : i32
      %dma_wait3A_34 = arith.constant 0 : i32
      %dma_wait3A_35 = tpu.memref_slice %arg4[%add3A, %dma_wait3A_33, %dma_wait3A_34] : memref<32x1x10240xi32, #tpu.memory_space<hbm>> -> memref<1x1x10240xi32, #tpu.memory_space<hbm>>
      %dma_wait3A_36 = tpu.memref_squeeze %dma_wait3A_35 : memref<1x1x10240xi32, #tpu.memory_space<hbm>> -> memref<1x10240xi32, #tpu.memory_space<hbm>>
      %dma_wait3A_37 = arith.constant 0 : i32
      %dma_wait3A_38 = arith.constant 0 : i32
      %dma_wait3A_39 = tpu.memref_slice %arg4[%add3A, %dma_wait3A_37, %dma_wait3A_38] : memref<32x1x10240xi32, #tpu.memory_space<hbm>> -> memref<1x1x10240xi32, #tpu.memory_space<hbm>>
      %dma_wait3A_40 = tpu.memref_squeeze %dma_wait3A_39 : memref<1x1x10240xi32, #tpu.memory_space<hbm>> -> memref<1x10240xi32, #tpu.memory_space<hbm>>
      tpu.wait_dma2 semaphore(%run_scoped3A_24 : memref<!tpu.dma_semaphore, #tpu.memory_space<semaphore_mem>>) src(%dma_wait3A_40 : memref<1x10240xi32, #tpu.memory_space<hbm>>) dst(%arg9 : memref<1x10240xi32, #tpu.memory_space<vmem>>)
      tpu.yield
    }) : () -> ()
    %barrier3A = arith.constant 0 : index
    tpu.barrier barrier_id(%barrier3A)
    %dma_start3A = arith.constant 0 : i32
    %dma_start3A_9 = arith.constant 0 : i32
    %dma_start3A_10 = tpu.memref_slice %arg8[%dma_start3A, %dma_start3A_9] : memref<1x10240xi32, #tpu.memory_space<vmem>> -> memref<1x10240xi32, #tpu.memory_space<vmem>>
    %dma_start3A_11 = tpu.memref_squeeze %dma_start3A_10 : memref<1x10240xi32, #tpu.memory_space<vmem>> -> memref<10240xi32, #tpu.memory_space<vmem>>
    %dma_start3A_12 = arith.constant 0 : i32
    %dma_start3A_13 = tpu.memref_slice %arg13[%dma_start3A_12] : memref<10240xf32, #tpu.memory_space<vmem_shared>> -> memref<10240xf32, #tpu.memory_space<vmem_shared>>
    tpu.enqueue_indirect_dma source(%dma_start3A_13 : memref<10240xf32, #tpu.memory_space<vmem_shared>>) target(%arg10 : memref<10240xf32, #tpu.memory_space<vmem>>) offsets(%dma_start3A_11 : memref<10240xi32, #tpu.memory_space<vmem>>) semaphore(%arg14 : memref<!tpu.dma_semaphore, #tpu.memory_space<semaphore_mem>>)
    %dma_wait3A = arith.constant 0 : i32
    %dma_wait3A_14 = arith.constant 0 : i32
    %dma_wait3A_15 = tpu.memref_slice %arg8[%dma_wait3A, %dma_wait3A_14] : memref<1x10240xi32, #tpu.memory_space<vmem>> -> memref<1x10240xi32, #tpu.memory_space<vmem>>
    %dma_wait3A_16 = tpu.memref_squeeze %dma_wait3A_15 : memref<1x10240xi32, #tpu.memory_space<vmem>> -> memref<10240xi32, #tpu.memory_space<vmem>>
    %dma_wait3A_17 = arith.constant 0 : i32
    %dma_wait3A_18 = tpu.memref_slice %arg13[%dma_wait3A_17] : memref<10240xf32, #tpu.memory_space<vmem_shared>> -> memref<10240xf32, #tpu.memory_space<vmem_shared>>
    tpu.wait_indirect_dma semaphore(%arg14 : memref<!tpu.dma_semaphore, #tpu.memory_space<semaphore_mem>>) src(%dma_wait3A_18 : memref<10240xf32, #tpu.memory_space<vmem_shared>>) dst(%arg10 : memref<10240xf32, #tpu.memory_space<vmem>>)
    %run_scoped3A = arith.constant 0 : i32
    "tpu.region"() ({
      %run_scoped3A_24 = tpu.sem_alloc : memref<!tpu.dma_semaphore, #tpu.memory_space<semaphore_mem>>
      %dma_start3A_25 = arith.constant 0 : i32
      %dma_start3A_26 = tpu.memref_slice %arg9[%run_scoped3A, %dma_start3A_25] : memref<1x10240xi32, #tpu.memory_space<vmem>> -> memref<1x10240xi32, #tpu.memory_space<vmem>>
      %dma_start3A_27 = tpu.memref_squeeze %dma_start3A_26 : memref<1x10240xi32, #tpu.memory_space<vmem>> -> memref<10240xi32, #tpu.memory_space<vmem>>
      %dma_start3A_28 = arith.constant 0 : i32
      %dma_start3A_29 = tpu.memref_slice %arg12[%dma_start3A_28] : memref<10240xf32, #tpu.memory_space<vmem_shared>> -> memref<10240xf32, #tpu.memory_space<vmem_shared>>
      tpu.enqueue_indirect_dma source(%arg10 : memref<10240xf32, #tpu.memory_space<vmem>>) target(%dma_start3A_29 : memref<10240xf32, #tpu.memory_space<vmem_shared>>) offsets(%dma_start3A_27 : memref<10240xi32, #tpu.memory_space<vmem>>) semaphore(%run_scoped3A_24 : memref<!tpu.dma_semaphore, #tpu.memory_space<semaphore_mem>>) {add = true}
      %dma_wait3A_30 = arith.constant 0 : i32
      %dma_wait3A_31 = tpu.memref_slice %arg9[%run_scoped3A, %dma_wait3A_30] : memref<1x10240xi32, #tpu.memory_space<vmem>> -> memref<1x10240xi32, #tpu.memory_space<vmem>>
      %dma_wait3A_32 = tpu.memref_squeeze %dma_wait3A_31 : memref<1x10240xi32, #tpu.memory_space<vmem>> -> memref<10240xi32, #tpu.memory_space<vmem>>
      %dma_wait3A_33 = arith.constant 0 : i32
      %dma_wait3A_34 = tpu.memref_slice %arg12[%dma_wait3A_33] : memref<10240xf32, #tpu.memory_space<vmem_shared>> -> memref<10240xf32, #tpu.memory_space<vmem_shared>>
      tpu.wait_indirect_dma semaphore(%run_scoped3A_24 : memref<!tpu.dma_semaphore, #tpu.memory_space<semaphore_mem>>) src(%arg10 : memref<10240xf32, #tpu.memory_space<vmem>>) dst(%dma_wait3A_34 : memref<10240xf32, #tpu.memory_space<vmem_shared>>)
      tpu.yield
    }) : () -> ()
    %barrier3A_19 = arith.constant 0 : index
    tpu.barrier barrier_id(%barrier3A_19)
    %mul3A_20 = arith.constant 640 : i32
    %mul3A_21 = arith.muli %arg1, %mul3A_20 : i32
    %mul3A_22 = arith.constant 640 : i32
    %mul3A_23 = arith.muli %arg1, %mul3A_22 : i32
    "tpu.region"() ({
      %run_scoped3A_24 = tpu.sem_alloc : memref<!tpu.dma_semaphore, #tpu.memory_space<semaphore_mem>>
      %dma_start3A_25 = arith.constant 0 : i32
      %dma_start3A_26 = tpu.memref_slice %arg7[%arg0, %dma_start3A_25] : memref<2x10240xf32, #tpu.memory_space<hbm>> -> memref<1x10240xf32, #tpu.memory_space<hbm>>
      %dma_start3A_27 = tpu.memref_squeeze %dma_start3A_26 : memref<1x10240xf32, #tpu.memory_space<hbm>> -> memref<10240xf32, #tpu.memory_space<hbm>>
      %dma_start3A_28 = tpu.memref_slice %dma_start3A_27[%mul3A_23] : memref<10240xf32, #tpu.memory_space<hbm>> -> memref<640xf32, #tpu.memory_space<hbm>>
      %dma_start3A_29 = tpu.memref_slice %arg12[%mul3A_21] : memref<10240xf32, #tpu.memory_space<vmem_shared>> -> memref<640xf32, #tpu.memory_space<vmem_shared>>
      tpu.enqueue_dma source(%dma_start3A_29 : memref<640xf32, #tpu.memory_space<vmem_shared>>) target(%dma_start3A_28 : memref<640xf32, #tpu.memory_space<hbm>>) target_semaphore(%run_scoped3A_24 : memref<!tpu.dma_semaphore, #tpu.memory_space<semaphore_mem>>)
      %dma_wait3A_30 = arith.constant 0 : i32
      %dma_wait3A_31 = tpu.memref_slice %arg7[%arg0, %dma_wait3A_30] : memref<2x10240xf32, #tpu.memory_space<hbm>> -> memref<1x10240xf32, #tpu.memory_space<hbm>>
      %dma_wait3A_32 = tpu.memref_squeeze %dma_wait3A_31 : memref<1x10240xf32, #tpu.memory_space<hbm>> -> memref<10240xf32, #tpu.memory_space<hbm>>
      %dma_wait3A_33 = tpu.memref_slice %dma_wait3A_32[%mul3A_23] : memref<10240xf32, #tpu.memory_space<hbm>> -> memref<640xf32, #tpu.memory_space<hbm>>
      %dma_wait3A_34 = tpu.memref_slice %arg12[%mul3A_21] : memref<10240xf32, #tpu.memory_space<vmem_shared>> -> memref<640xf32, #tpu.memory_space<vmem_shared>>
      tpu.wait_dma2 semaphore(%run_scoped3A_24 : memref<!tpu.dma_semaphore, #tpu.memory_space<semaphore_mem>>) src(%dma_wait3A_34 : memref<640xf32, #tpu.memory_space<vmem_shared>>) dst(%dma_wait3A_33 : memref<640xf32, #tpu.memory_space<hbm>>)
      tpu.yield
    }) : () -> ()
    return
  }
}

#map = affine_map<(d0, d1) -> (0, 0)>
#map1 = affine_map<(d0, d1) -> (0, 0, 0)>
module attributes {stable_mosaic.version = 14 : i64} {
  func.func @body(%arg0: i32, %arg1: i32, %arg2: memref<10240x64xf32, #tpu.memory_space<hbm>>, %arg3: memref<32x80x128xi32, #tpu.memory_space<hbm>>, %arg4: memref<32x80x128xi32, #tpu.memory_space<hbm>>, %arg5: memref<10240x64xf32, #tpu.memory_space<hbm>>, %arg6: memref<1x1xf32, #tpu.memory_space<hbm>>, %arg7: memref<2x10240x64xf32, #tpu.memory_space<hbm>>, %arg8: memref<80x128xi32, #tpu.memory_space<vmem>>, %arg9: memref<80x128xi32, #tpu.memory_space<vmem>>, %arg10: memref<128x64xf32, #tpu.memory_space<vmem>>, %arg11: memref<128x64xf32, #tpu.memory_space<vmem>>, %arg12: memref<10240x64xf32, #tpu.memory_space<vmem_shared>>, %arg13: memref<10240x64xf32, #tpu.memory_space<vmem_shared>>, %arg14: memref<!tpu.dma_semaphore, #tpu.memory_space<semaphore_mem>>, %arg15: memref<!tpu.dma_semaphore, #tpu.memory_space<semaphore_mem>>) attributes {dimension_semantics = [#tpu.dimension_semantics<core_parallel>, #tpu.dimension_semantics<subcore_parallel>], iteration_bounds = array<i64: 2, 16>, scalar_prefetch = 0 : i64, scratch_operands = 8 : i64, tpu.core_type = #tpu.core_type<sc_vector_subcore>, window_params = [{transform_indices = #map}, {transform_indices = #map1}, {transform_indices = #map1}, {transform_indices = #map}, {transform_indices = #map}, {transform_indices = #map1}]} {
    %mul3A = arith.constant 2 : i32
    %mul3A_0 = arith.muli %arg1, %mul3A : i32
    %add3A = arith.addi %mul3A_0, %arg0 : i32
    %mul3A_1 = arith.constant 640 : i32
    %mul3A_2 = arith.muli %arg1, %mul3A_1 : i32
    %mul3A_3 = arith.constant 640 : i32
    %mul3A_4 = arith.muli %arg1, %mul3A_3 : i32
    "tpu.region"() ({
      %run_scoped3A = tpu.sem_alloc : memref<!tpu.dma_semaphore, #tpu.memory_space<semaphore_mem>>
      %dma_start3A_32 = arith.constant 0 : i32
      %dma_start3A_33 = tpu.memref_slice %arg12[%mul3A_4, %dma_start3A_32] : memref<10240x64xf32, #tpu.memory_space<vmem_shared>> -> memref<640x64xf32, #tpu.memory_space<vmem_shared>>
      %dma_start3A_34 = arith.constant 0 : i32
      %dma_start3A_35 = tpu.memref_slice %arg5[%mul3A_2, %dma_start3A_34] : memref<10240x64xf32, #tpu.memory_space<hbm>> -> memref<640x64xf32, #tpu.memory_space<hbm>>
      tpu.enqueue_dma source(%dma_start3A_35 : memref<640x64xf32, #tpu.memory_space<hbm>>) target(%dma_start3A_33 : memref<640x64xf32, #tpu.memory_space<vmem_shared>>) target_semaphore(%run_scoped3A : memref<!tpu.dma_semaphore, #tpu.memory_space<semaphore_mem>>)
      %dma_wait3A = arith.constant 0 : i32
      %dma_wait3A_36 = tpu.memref_slice %arg12[%mul3A_4, %dma_wait3A] : memref<10240x64xf32, #tpu.memory_space<vmem_shared>> -> memref<640x64xf32, #tpu.memory_space<vmem_shared>>
      %dma_wait3A_37 = arith.constant 0 : i32
      %dma_wait3A_38 = tpu.memref_slice %arg5[%mul3A_2, %dma_wait3A_37] : memref<10240x64xf32, #tpu.memory_space<hbm>> -> memref<640x64xf32, #tpu.memory_space<hbm>>
      tpu.wait_dma2 semaphore(%run_scoped3A : memref<!tpu.dma_semaphore, #tpu.memory_space<semaphore_mem>>) src(%dma_wait3A_38 : memref<640x64xf32, #tpu.memory_space<hbm>>) dst(%dma_wait3A_36 : memref<640x64xf32, #tpu.memory_space<vmem_shared>>)
      tpu.yield
    }) : () -> ()
    %mul3A_5 = arith.constant 640 : i32
    %mul3A_6 = arith.muli %arg1, %mul3A_5 : i32
    %mul3A_7 = arith.constant 640 : i32
    %mul3A_8 = arith.muli %arg1, %mul3A_7 : i32
    "tpu.region"() ({
      %run_scoped3A = tpu.sem_alloc : memref<!tpu.dma_semaphore, #tpu.memory_space<semaphore_mem>>
      %dma_start3A_32 = arith.constant 0 : i32
      %dma_start3A_33 = tpu.memref_slice %arg13[%mul3A_8, %dma_start3A_32] : memref<10240x64xf32, #tpu.memory_space<vmem_shared>> -> memref<640x64xf32, #tpu.memory_space<vmem_shared>>
      %dma_start3A_34 = arith.constant 0 : i32
      %dma_start3A_35 = tpu.memref_slice %arg2[%mul3A_6, %dma_start3A_34] : memref<10240x64xf32, #tpu.memory_space<hbm>> -> memref<640x64xf32, #tpu.memory_space<hbm>>
      tpu.enqueue_dma source(%dma_start3A_35 : memref<640x64xf32, #tpu.memory_space<hbm>>) target(%dma_start3A_33 : memref<640x64xf32, #tpu.memory_space<vmem_shared>>) target_semaphore(%run_scoped3A : memref<!tpu.dma_semaphore, #tpu.memory_space<semaphore_mem>>)
      %dma_wait3A = arith.constant 0 : i32
      %dma_wait3A_36 = tpu.memref_slice %arg13[%mul3A_8, %dma_wait3A] : memref<10240x64xf32, #tpu.memory_space<vmem_shared>> -> memref<640x64xf32, #tpu.memory_space<vmem_shared>>
      %dma_wait3A_37 = arith.constant 0 : i32
      %dma_wait3A_38 = tpu.memref_slice %arg2[%mul3A_6, %dma_wait3A_37] : memref<10240x64xf32, #tpu.memory_space<hbm>> -> memref<640x64xf32, #tpu.memory_space<hbm>>
      tpu.wait_dma2 semaphore(%run_scoped3A : memref<!tpu.dma_semaphore, #tpu.memory_space<semaphore_mem>>) src(%dma_wait3A_38 : memref<640x64xf32, #tpu.memory_space<hbm>>) dst(%dma_wait3A_36 : memref<640x64xf32, #tpu.memory_space<vmem_shared>>)
      tpu.yield
    }) : () -> ()
    "tpu.region"() ({
      %run_scoped3A = tpu.sem_alloc : memref<!tpu.dma_semaphore, #tpu.memory_space<semaphore_mem>>
      %dma_start3A_32 = arith.constant 0 : i32
      %dma_start3A_33 = arith.constant 0 : i32
      %dma_start3A_34 = tpu.memref_slice %arg3[%add3A, %dma_start3A_32, %dma_start3A_33] : memref<32x80x128xi32, #tpu.memory_space<hbm>> -> memref<1x80x128xi32, #tpu.memory_space<hbm>>
      %dma_start3A_35 = tpu.memref_squeeze %dma_start3A_34 : memref<1x80x128xi32, #tpu.memory_space<hbm>> -> memref<80x128xi32, #tpu.memory_space<hbm>>
      %dma_start3A_36 = arith.constant 0 : i32
      %dma_start3A_37 = arith.constant 0 : i32
      %dma_start3A_38 = tpu.memref_slice %arg3[%add3A, %dma_start3A_36, %dma_start3A_37] : memref<32x80x128xi32, #tpu.memory_space<hbm>> -> memref<1x80x128xi32, #tpu.memory_space<hbm>>
      %dma_start3A_39 = tpu.memref_squeeze %dma_start3A_38 : memref<1x80x128xi32, #tpu.memory_space<hbm>> -> memref<80x128xi32, #tpu.memory_space<hbm>>
      tpu.enqueue_dma source(%dma_start3A_39 : memref<80x128xi32, #tpu.memory_space<hbm>>) target(%arg8 : memref<80x128xi32, #tpu.memory_space<vmem>>) target_semaphore(%run_scoped3A : memref<!tpu.dma_semaphore, #tpu.memory_space<semaphore_mem>>)
      %dma_wait3A = arith.constant 0 : i32
      %dma_wait3A_40 = arith.constant 0 : i32
      %dma_wait3A_41 = tpu.memref_slice %arg3[%add3A, %dma_wait3A, %dma_wait3A_40] : memref<32x80x128xi32, #tpu.memory_space<hbm>> -> memref<1x80x128xi32, #tpu.memory_space<hbm>>
      %dma_wait3A_42 = tpu.memref_squeeze %dma_wait3A_41 : memref<1x80x128xi32, #tpu.memory_space<hbm>> -> memref<80x128xi32, #tpu.memory_space<hbm>>
      %dma_wait3A_43 = arith.constant 0 : i32
      %dma_wait3A_44 = arith.constant 0 : i32
      %dma_wait3A_45 = tpu.memref_slice %arg3[%add3A, %dma_wait3A_43, %dma_wait3A_44] : memref<32x80x128xi32, #tpu.memory_space<hbm>> -> memref<1x80x128xi32, #tpu.memory_space<hbm>>
      %dma_wait3A_46 = tpu.memref_squeeze %dma_wait3A_45 : memref<1x80x128xi32, #tpu.memory_space<hbm>> -> memref<80x128xi32, #tpu.memory_space<hbm>>
      tpu.wait_dma2 semaphore(%run_scoped3A : memref<!tpu.dma_semaphore, #tpu.memory_space<semaphore_mem>>) src(%dma_wait3A_46 : memref<80x128xi32, #tpu.memory_space<hbm>>) dst(%arg8 : memref<80x128xi32, #tpu.memory_space<vmem>>)
      tpu.yield
    }) : () -> ()
    "tpu.region"() ({
      %run_scoped3A = tpu.sem_alloc : memref<!tpu.dma_semaphore, #tpu.memory_space<semaphore_mem>>
      %dma_start3A_32 = arith.constant 0 : i32
      %dma_start3A_33 = arith.constant 0 : i32
      %dma_start3A_34 = tpu.memref_slice %arg4[%add3A, %dma_start3A_32, %dma_start3A_33] : memref<32x80x128xi32, #tpu.memory_space<hbm>> -> memref<1x80x128xi32, #tpu.memory_space<hbm>>
      %dma_start3A_35 = tpu.memref_squeeze %dma_start3A_34 : memref<1x80x128xi32, #tpu.memory_space<hbm>> -> memref<80x128xi32, #tpu.memory_space<hbm>>
      %dma_start3A_36 = arith.constant 0 : i32
      %dma_start3A_37 = arith.constant 0 : i32
      %dma_start3A_38 = tpu.memref_slice %arg4[%add3A, %dma_start3A_36, %dma_start3A_37] : memref<32x80x128xi32, #tpu.memory_space<hbm>> -> memref<1x80x128xi32, #tpu.memory_space<hbm>>
      %dma_start3A_39 = tpu.memref_squeeze %dma_start3A_38 : memref<1x80x128xi32, #tpu.memory_space<hbm>> -> memref<80x128xi32, #tpu.memory_space<hbm>>
      tpu.enqueue_dma source(%dma_start3A_39 : memref<80x128xi32, #tpu.memory_space<hbm>>) target(%arg9 : memref<80x128xi32, #tpu.memory_space<vmem>>) target_semaphore(%run_scoped3A : memref<!tpu.dma_semaphore, #tpu.memory_space<semaphore_mem>>)
      %dma_wait3A = arith.constant 0 : i32
      %dma_wait3A_40 = arith.constant 0 : i32
      %dma_wait3A_41 = tpu.memref_slice %arg4[%add3A, %dma_wait3A, %dma_wait3A_40] : memref<32x80x128xi32, #tpu.memory_space<hbm>> -> memref<1x80x128xi32, #tpu.memory_space<hbm>>
      %dma_wait3A_42 = tpu.memref_squeeze %dma_wait3A_41 : memref<1x80x128xi32, #tpu.memory_space<hbm>> -> memref<80x128xi32, #tpu.memory_space<hbm>>
      %dma_wait3A_43 = arith.constant 0 : i32
      %dma_wait3A_44 = arith.constant 0 : i32
      %dma_wait3A_45 = tpu.memref_slice %arg4[%add3A, %dma_wait3A_43, %dma_wait3A_44] : memref<32x80x128xi32, #tpu.memory_space<hbm>> -> memref<1x80x128xi32, #tpu.memory_space<hbm>>
      %dma_wait3A_46 = tpu.memref_squeeze %dma_wait3A_45 : memref<1x80x128xi32, #tpu.memory_space<hbm>> -> memref<80x128xi32, #tpu.memory_space<hbm>>
      tpu.wait_dma2 semaphore(%run_scoped3A : memref<!tpu.dma_semaphore, #tpu.memory_space<semaphore_mem>>) src(%dma_wait3A_46 : memref<80x128xi32, #tpu.memory_space<hbm>>) dst(%arg9 : memref<80x128xi32, #tpu.memory_space<vmem>>)
      tpu.yield
    }) : () -> ()
    %barrier3A = arith.constant 0 : index
    tpu.barrier barrier_id(%barrier3A)
    %dma_start3A = arith.constant 0 : i32
    %dma_start3A_9 = arith.constant 0 : i32
    %dma_start3A_10 = tpu.memref_slice %arg8[%dma_start3A, %dma_start3A_9] : memref<80x128xi32, #tpu.memory_space<vmem>> -> memref<1x128xi32, #tpu.memory_space<vmem>>
    %dma_start3A_11 = tpu.memref_squeeze %dma_start3A_10 : memref<1x128xi32, #tpu.memory_space<vmem>> -> memref<128xi32, #tpu.memory_space<vmem>>
    %dma_start3A_12 = arith.constant 0 : i32
    %dma_start3A_13 = arith.constant 0 : i32
    %dma_start3A_14 = tpu.memref_slice %arg13[%dma_start3A_12, %dma_start3A_13] : memref<10240x64xf32, #tpu.memory_space<vmem_shared>> -> memref<10240x64xf32, #tpu.memory_space<vmem_shared>>
    tpu.enqueue_indirect_dma source(%dma_start3A_14 : memref<10240x64xf32, #tpu.memory_space<vmem_shared>>) target(%arg10 : memref<128x64xf32, #tpu.memory_space<vmem>>) offsets(%dma_start3A_11 : memref<128xi32, #tpu.memory_space<vmem>>) semaphore(%arg14 : memref<!tpu.dma_semaphore, #tpu.memory_space<semaphore_mem>>)
    %dma_start3A_15 = arith.constant 1 : i32
    %dma_start3A_16 = arith.constant 0 : i32
    %dma_start3A_17 = tpu.memref_slice %arg8[%dma_start3A_15, %dma_start3A_16] : memref<80x128xi32, #tpu.memory_space<vmem>> -> memref<1x128xi32, #tpu.memory_space<vmem>>
    %dma_start3A_18 = tpu.memref_squeeze %dma_start3A_17 : memref<1x128xi32, #tpu.memory_space<vmem>> -> memref<128xi32, #tpu.memory_space<vmem>>
    %dma_start3A_19 = arith.constant 0 : i32
    %dma_start3A_20 = arith.constant 0 : i32
    %dma_start3A_21 = tpu.memref_slice %arg13[%dma_start3A_19, %dma_start3A_20] : memref<10240x64xf32, #tpu.memory_space<vmem_shared>> -> memref<10240x64xf32, #tpu.memory_space<vmem_shared>>
    tpu.enqueue_indirect_dma source(%dma_start3A_21 : memref<10240x64xf32, #tpu.memory_space<vmem_shared>>) target(%arg11 : memref<128x64xf32, #tpu.memory_space<vmem>>) offsets(%dma_start3A_18 : memref<128xi32, #tpu.memory_space<vmem>>) semaphore(%arg15 : memref<!tpu.dma_semaphore, #tpu.memory_space<semaphore_mem>>)
    %scan3A = arith.constant 0 : i32
    %scan3A_22 = arith.constant 0 : i32
    %scan3A_23 = arith.constant 40 : i32
    %scan3A_24 = arith.addi %scan3A_22, %scan3A_23 : i32
    %scan3A_25 = arith.constant 1 : i32
    scf.for %scan3A_32 = %scan3A_22 to %scan3A_24 step %scan3A_25  : i32 {
      %mul3A_33 = arith.constant 2 : i32
      %mul3A_34 = arith.muli %scan3A_32, %mul3A_33 : i32
      %dma_wait3A = arith.constant 0 : i32
      %dma_wait3A_35 = tpu.memref_slice %arg8[%mul3A_34, %dma_wait3A] : memref<80x128xi32, #tpu.memory_space<vmem>> -> memref<1x128xi32, #tpu.memory_space<vmem>>
      %dma_wait3A_36 = tpu.memref_squeeze %dma_wait3A_35 : memref<1x128xi32, #tpu.memory_space<vmem>> -> memref<128xi32, #tpu.memory_space<vmem>>
      %dma_wait3A_37 = arith.constant 0 : i32
      %dma_wait3A_38 = arith.constant 0 : i32
      %dma_wait3A_39 = tpu.memref_slice %arg13[%dma_wait3A_37, %dma_wait3A_38] : memref<10240x64xf32, #tpu.memory_space<vmem_shared>> -> memref<10240x64xf32, #tpu.memory_space<vmem_shared>>
      tpu.wait_indirect_dma semaphore(%arg14 : memref<!tpu.dma_semaphore, #tpu.memory_space<semaphore_mem>>) src(%dma_wait3A_39 : memref<10240x64xf32, #tpu.memory_space<vmem_shared>>) dst(%arg10 : memref<128x64xf32, #tpu.memory_space<vmem>>)
      "tpu.region"() ({
        %run_scoped3A = tpu.sem_alloc : memref<!tpu.dma_semaphore, #tpu.memory_space<semaphore_mem>>
        %dma_start3A_61 = arith.constant 0 : i32
        %dma_start3A_62 = tpu.memref_slice %arg9[%mul3A_34, %dma_start3A_61] : memref<80x128xi32, #tpu.memory_space<vmem>> -> memref<1x128xi32, #tpu.memory_space<vmem>>
        %dma_start3A_63 = tpu.memref_squeeze %dma_start3A_62 : memref<1x128xi32, #tpu.memory_space<vmem>> -> memref<128xi32, #tpu.memory_space<vmem>>
        %dma_start3A_64 = arith.constant 0 : i32
        %dma_start3A_65 = arith.constant 0 : i32
        %dma_start3A_66 = tpu.memref_slice %arg12[%dma_start3A_64, %dma_start3A_65] : memref<10240x64xf32, #tpu.memory_space<vmem_shared>> -> memref<10240x64xf32, #tpu.memory_space<vmem_shared>>
        tpu.enqueue_indirect_dma source(%arg10 : memref<128x64xf32, #tpu.memory_space<vmem>>) target(%dma_start3A_66 : memref<10240x64xf32, #tpu.memory_space<vmem_shared>>) offsets(%dma_start3A_63 : memref<128xi32, #tpu.memory_space<vmem>>) semaphore(%run_scoped3A : memref<!tpu.dma_semaphore, #tpu.memory_space<semaphore_mem>>) {add = true}
        %dma_wait3A_67 = arith.constant 0 : i32
        %dma_wait3A_68 = tpu.memref_slice %arg9[%mul3A_34, %dma_wait3A_67] : memref<80x128xi32, #tpu.memory_space<vmem>> -> memref<1x128xi32, #tpu.memory_space<vmem>>
        %dma_wait3A_69 = tpu.memref_squeeze %dma_wait3A_68 : memref<1x128xi32, #tpu.memory_space<vmem>> -> memref<128xi32, #tpu.memory_space<vmem>>
        %dma_wait3A_70 = arith.constant 0 : i32
        %dma_wait3A_71 = arith.constant 0 : i32
        %dma_wait3A_72 = tpu.memref_slice %arg12[%dma_wait3A_70, %dma_wait3A_71] : memref<10240x64xf32, #tpu.memory_space<vmem_shared>> -> memref<10240x64xf32, #tpu.memory_space<vmem_shared>>
        tpu.wait_indirect_dma semaphore(%run_scoped3A : memref<!tpu.dma_semaphore, #tpu.memory_space<semaphore_mem>>) src(%arg10 : memref<128x64xf32, #tpu.memory_space<vmem>>) dst(%dma_wait3A_72 : memref<10240x64xf32, #tpu.memory_space<vmem_shared>>)
        tpu.yield
      }) : () -> ()
      %add3A_40 = arith.constant 2 : i32
      %add3A_41 = arith.addi %mul3A_34, %add3A_40 : i32
      %lt3A = arith.constant 80 : i32
      %lt3A_42 = arith.cmpi slt, %add3A_41, %lt3A : i32
      %convert_element_type3A = arith.extui %lt3A_42 : i1 to i32
      %cond3A = arith.constant 0 : i32
      %cond3A_43 = arith.cmpi ne, %convert_element_type3A, %cond3A : i32
      scf.if %cond3A_43 {
        %add3A_61 = arith.constant 2 : i32
        %add3A_62 = arith.addi %mul3A_34, %add3A_61 : i32
        %dma_start3A_63 = arith.constant 0 : i32
        %dma_start3A_64 = tpu.memref_slice %arg8[%add3A_62, %dma_start3A_63] : memref<80x128xi32, #tpu.memory_space<vmem>> -> memref<1x128xi32, #tpu.memory_space<vmem>>
        %dma_start3A_65 = tpu.memref_squeeze %dma_start3A_64 : memref<1x128xi32, #tpu.memory_space<vmem>> -> memref<128xi32, #tpu.memory_space<vmem>>
        %dma_start3A_66 = arith.constant 0 : i32
        %dma_start3A_67 = arith.constant 0 : i32
        %dma_start3A_68 = tpu.memref_slice %arg13[%dma_start3A_66, %dma_start3A_67] : memref<10240x64xf32, #tpu.memory_space<vmem_shared>> -> memref<10240x64xf32, #tpu.memory_space<vmem_shared>>
        tpu.enqueue_indirect_dma source(%dma_start3A_68 : memref<10240x64xf32, #tpu.memory_space<vmem_shared>>) target(%arg10 : memref<128x64xf32, #tpu.memory_space<vmem>>) offsets(%dma_start3A_65 : memref<128xi32, #tpu.memory_space<vmem>>) semaphore(%arg14 : memref<!tpu.dma_semaphore, #tpu.memory_space<semaphore_mem>>)
      } else {
      }
      %add3A_44 = arith.constant 1 : i32
      %add3A_45 = arith.addi %mul3A_34, %add3A_44 : i32
      %dma_wait3A_46 = arith.constant 0 : i32
      %dma_wait3A_47 = tpu.memref_slice %arg8[%add3A_45, %dma_wait3A_46] : memref<80x128xi32, #tpu.memory_space<vmem>> -> memref<1x128xi32, #tpu.memory_space<vmem>>
      %dma_wait3A_48 = tpu.memref_squeeze %dma_wait3A_47 : memref<1x128xi32, #tpu.memory_space<vmem>> -> memref<128xi32, #tpu.memory_space<vmem>>
      %dma_wait3A_49 = arith.constant 0 : i32
      %dma_wait3A_50 = arith.constant 0 : i32
      %dma_wait3A_51 = tpu.memref_slice %arg13[%dma_wait3A_49, %dma_wait3A_50] : memref<10240x64xf32, #tpu.memory_space<vmem_shared>> -> memref<10240x64xf32, #tpu.memory_space<vmem_shared>>
      tpu.wait_indirect_dma semaphore(%arg15 : memref<!tpu.dma_semaphore, #tpu.memory_space<semaphore_mem>>) src(%dma_wait3A_51 : memref<10240x64xf32, #tpu.memory_space<vmem_shared>>) dst(%arg11 : memref<128x64xf32, #tpu.memory_space<vmem>>)
      %add3A_52 = arith.constant 1 : i32
      %add3A_53 = arith.addi %mul3A_34, %add3A_52 : i32
      "tpu.region"() ({
        %run_scoped3A = tpu.sem_alloc : memref<!tpu.dma_semaphore, #tpu.memory_space<semaphore_mem>>
        %dma_start3A_61 = arith.constant 0 : i32
        %dma_start3A_62 = tpu.memref_slice %arg9[%add3A_53, %dma_start3A_61] : memref<80x128xi32, #tpu.memory_space<vmem>> -> memref<1x128xi32, #tpu.memory_space<vmem>>
        %dma_start3A_63 = tpu.memref_squeeze %dma_start3A_62 : memref<1x128xi32, #tpu.memory_space<vmem>> -> memref<128xi32, #tpu.memory_space<vmem>>
        %dma_start3A_64 = arith.constant 0 : i32
        %dma_start3A_65 = arith.constant 0 : i32
        %dma_start3A_66 = tpu.memref_slice %arg12[%dma_start3A_64, %dma_start3A_65] : memref<10240x64xf32, #tpu.memory_space<vmem_shared>> -> memref<10240x64xf32, #tpu.memory_space<vmem_shared>>
        tpu.enqueue_indirect_dma source(%arg11 : memref<128x64xf32, #tpu.memory_space<vmem>>) target(%dma_start3A_66 : memref<10240x64xf32, #tpu.memory_space<vmem_shared>>) offsets(%dma_start3A_63 : memref<128xi32, #tpu.memory_space<vmem>>) semaphore(%run_scoped3A : memref<!tpu.dma_semaphore, #tpu.memory_space<semaphore_mem>>) {add = true}
        %dma_wait3A_67 = arith.constant 0 : i32
        %dma_wait3A_68 = tpu.memref_slice %arg9[%add3A_53, %dma_wait3A_67] : memref<80x128xi32, #tpu.memory_space<vmem>> -> memref<1x128xi32, #tpu.memory_space<vmem>>
        %dma_wait3A_69 = tpu.memref_squeeze %dma_wait3A_68 : memref<1x128xi32, #tpu.memory_space<vmem>> -> memref<128xi32, #tpu.memory_space<vmem>>
        %dma_wait3A_70 = arith.constant 0 : i32
        %dma_wait3A_71 = arith.constant 0 : i32
        %dma_wait3A_72 = tpu.memref_slice %arg12[%dma_wait3A_70, %dma_wait3A_71] : memref<10240x64xf32, #tpu.memory_space<vmem_shared>> -> memref<10240x64xf32, #tpu.memory_space<vmem_shared>>
        tpu.wait_indirect_dma semaphore(%run_scoped3A : memref<!tpu.dma_semaphore, #tpu.memory_space<semaphore_mem>>) src(%arg11 : memref<128x64xf32, #tpu.memory_space<vmem>>) dst(%dma_wait3A_72 : memref<10240x64xf32, #tpu.memory_space<vmem_shared>>)
        tpu.yield
      }) : () -> ()
      %add3A_54 = arith.constant 3 : i32
      %add3A_55 = arith.addi %mul3A_34, %add3A_54 : i32
      %lt3A_56 = arith.constant 80 : i32
      %lt3A_57 = arith.cmpi slt, %add3A_55, %lt3A_56 : i32
      %convert_element_type3A_58 = arith.extui %lt3A_57 : i1 to i32
      %cond3A_59 = arith.constant 0 : i32
      %cond3A_60 = arith.cmpi ne, %convert_element_type3A_58, %cond3A_59 : i32
      scf.if %cond3A_60 {
        %add3A_61 = arith.constant 3 : i32
        %add3A_62 = arith.addi %mul3A_34, %add3A_61 : i32
        %dma_start3A_63 = arith.constant 0 : i32
        %dma_start3A_64 = tpu.memref_slice %arg8[%add3A_62, %dma_start3A_63] : memref<80x128xi32, #tpu.memory_space<vmem>> -> memref<1x128xi32, #tpu.memory_space<vmem>>
        %dma_start3A_65 = tpu.memref_squeeze %dma_start3A_64 : memref<1x128xi32, #tpu.memory_space<vmem>> -> memref<128xi32, #tpu.memory_space<vmem>>
        %dma_start3A_66 = arith.constant 0 : i32
        %dma_start3A_67 = arith.constant 0 : i32
        %dma_start3A_68 = tpu.memref_slice %arg13[%dma_start3A_66, %dma_start3A_67] : memref<10240x64xf32, #tpu.memory_space<vmem_shared>> -> memref<10240x64xf32, #tpu.memory_space<vmem_shared>>
        tpu.enqueue_indirect_dma source(%dma_start3A_68 : memref<10240x64xf32, #tpu.memory_space<vmem_shared>>) target(%arg11 : memref<128x64xf32, #tpu.memory_space<vmem>>) offsets(%dma_start3A_65 : memref<128xi32, #tpu.memory_space<vmem>>) semaphore(%arg15 : memref<!tpu.dma_semaphore, #tpu.memory_space<semaphore_mem>>)
      } else {
      }
    }
    %scan3A_26 = arith.constant 40 : i32
    %barrier3A_27 = arith.constant 0 : index
    tpu.barrier barrier_id(%barrier3A_27)
    %mul3A_28 = arith.constant 640 : i32
    %mul3A_29 = arith.muli %arg1, %mul3A_28 : i32
    %mul3A_30 = arith.constant 640 : i32
    %mul3A_31 = arith.muli %arg1, %mul3A_30 : i32
    "tpu.region"() ({
      %run_scoped3A = tpu.sem_alloc : memref<!tpu.dma_semaphore, #tpu.memory_space<semaphore_mem>>
      %dma_start3A_32 = arith.constant 0 : i32
      %dma_start3A_33 = arith.constant 0 : i32
      %dma_start3A_34 = tpu.memref_slice %arg7[%arg0, %dma_start3A_32, %dma_start3A_33] : memref<2x10240x64xf32, #tpu.memory_space<hbm>> -> memref<1x10240x64xf32, #tpu.memory_space<hbm>>
      %dma_start3A_35 = tpu.memref_squeeze %dma_start3A_34 : memref<1x10240x64xf32, #tpu.memory_space<hbm>> -> memref<10240x64xf32, #tpu.memory_space<hbm>>
      %dma_start3A_36 = arith.constant 0 : i32
      %dma_start3A_37 = tpu.memref_slice %dma_start3A_35[%mul3A_31, %dma_start3A_36] : memref<10240x64xf32, #tpu.memory_space<hbm>> -> memref<640x64xf32, #tpu.memory_space<hbm>>
      %dma_start3A_38 = arith.constant 0 : i32
      %dma_start3A_39 = tpu.memref_slice %arg12[%mul3A_29, %dma_start3A_38] : memref<10240x64xf32, #tpu.memory_space<vmem_shared>> -> memref<640x64xf32, #tpu.memory_space<vmem_shared>>
      tpu.enqueue_dma source(%dma_start3A_39 : memref<640x64xf32, #tpu.memory_space<vmem_shared>>) target(%dma_start3A_37 : memref<640x64xf32, #tpu.memory_space<hbm>>) target_semaphore(%run_scoped3A : memref<!tpu.dma_semaphore, #tpu.memory_space<semaphore_mem>>)
      %dma_wait3A = arith.constant 0 : i32
      %dma_wait3A_40 = arith.constant 0 : i32
      %dma_wait3A_41 = tpu.memref_slice %arg7[%arg0, %dma_wait3A, %dma_wait3A_40] : memref<2x10240x64xf32, #tpu.memory_space<hbm>> -> memref<1x10240x64xf32, #tpu.memory_space<hbm>>
      %dma_wait3A_42 = tpu.memref_squeeze %dma_wait3A_41 : memref<1x10240x64xf32, #tpu.memory_space<hbm>> -> memref<10240x64xf32, #tpu.memory_space<hbm>>
      %dma_wait3A_43 = arith.constant 0 : i32
      %dma_wait3A_44 = tpu.memref_slice %dma_wait3A_42[%mul3A_31, %dma_wait3A_43] : memref<10240x64xf32, #tpu.memory_space<hbm>> -> memref<640x64xf32, #tpu.memory_space<hbm>>
      %dma_wait3A_45 = arith.constant 0 : i32
      %dma_wait3A_46 = tpu.memref_slice %arg12[%mul3A_29, %dma_wait3A_45] : memref<10240x64xf32, #tpu.memory_space<vmem_shared>> -> memref<640x64xf32, #tpu.memory_space<vmem_shared>>
      tpu.wait_dma2 semaphore(%run_scoped3A : memref<!tpu.dma_semaphore, #tpu.memory_space<semaphore_mem>>) src(%dma_wait3A_46 : memref<640x64xf32, #tpu.memory_space<vmem_shared>>) dst(%dma_wait3A_44 : memref<640x64xf32, #tpu.memory_space<hbm>>)
      tpu.yield
    }) : () -> ()
    return
  }
}

#map = affine_map<(d0, d1) -> (0, 0)>
#map1 = affine_map<(d0, d1) -> (0, 0, 0)>
module attributes {stable_mosaic.version = 14 : i64} {
  func.func @body(%arg0: i32, %arg1: i32, %arg2: memref<10240x64xf32, #tpu.memory_space<hbm>>, %arg3: memref<32x80x128xi32, #tpu.memory_space<hbm>>, %arg4: memref<32x80x128xi32, #tpu.memory_space<hbm>>, %arg5: memref<10240x64xf32, #tpu.memory_space<hbm>>, %arg6: memref<1x1xf32, #tpu.memory_space<hbm>>, %arg7: memref<2x10240x64xf32, #tpu.memory_space<hbm>>, %arg8: memref<80x128xi32, #tpu.memory_space<vmem>>, %arg9: memref<80x128xi32, #tpu.memory_space<vmem>>, %arg10: memref<128x64xf32, #tpu.memory_space<vmem>>, %arg11: memref<128x64xf32, #tpu.memory_space<vmem>>, %arg12: memref<10240x64xf32, #tpu.memory_space<vmem_shared>>, %arg13: memref<10240x64xf32, #tpu.memory_space<vmem_shared>>, %arg14: memref<!tpu.dma_semaphore, #tpu.memory_space<semaphore_mem>>, %arg15: memref<!tpu.dma_semaphore, #tpu.memory_space<semaphore_mem>>) attributes {dimension_semantics = [#tpu.dimension_semantics<core_parallel>, #tpu.dimension_semantics<subcore_parallel>], iteration_bounds = array<i64: 2, 16>, scalar_prefetch = 0 : i64, scratch_operands = 8 : i64, tpu.core_type = #tpu.core_type<sc_vector_subcore>, window_params = [{transform_indices = #map}, {transform_indices = #map1}, {transform_indices = #map1}, {transform_indices = #map}, {transform_indices = #map}, {transform_indices = #map1}]} {
    %mul3A = arith.constant 2 : i32
    %mul3A_0 = arith.muli %arg1, %mul3A : i32
    %add3A = arith.addi %mul3A_0, %arg0 : i32
    %mul3A_1 = arith.constant 640 : i32
    %mul3A_2 = arith.muli %arg1, %mul3A_1 : i32
    %mul3A_3 = arith.constant 640 : i32
    %mul3A_4 = arith.muli %arg1, %mul3A_3 : i32
    "tpu.region"() ({
      %run_scoped3A = tpu.sem_alloc : memref<!tpu.dma_semaphore, #tpu.memory_space<semaphore_mem>>
      %dma_start3A_32 = arith.constant 0 : i32
      %dma_start3A_33 = tpu.memref_slice %arg12[%mul3A_4, %dma_start3A_32] : memref<10240x64xf32, #tpu.memory_space<vmem_shared>> -> memref<640x64xf32, #tpu.memory_space<vmem_shared>>
      %dma_start3A_34 = arith.constant 0 : i32
      %dma_start3A_35 = tpu.memref_slice %arg5[%mul3A_2, %dma_start3A_34] : memref<10240x64xf32, #tpu.memory_space<hbm>> -> memref<640x64xf32, #tpu.memory_space<hbm>>
      tpu.enqueue_dma source(%dma_start3A_35 : memref<640x64xf32, #tpu.memory_space<hbm>>) target(%dma_start3A_33 : memref<640x64xf32, #tpu.memory_space<vmem_shared>>) target_semaphore(%run_scoped3A : memref<!tpu.dma_semaphore, #tpu.memory_space<semaphore_mem>>)
      %dma_wait3A = arith.constant 0 : i32
      %dma_wait3A_36 = tpu.memref_slice %arg12[%mul3A_4, %dma_wait3A] : memref<10240x64xf32, #tpu.memory_space<vmem_shared>> -> memref<640x64xf32, #tpu.memory_space<vmem_shared>>
      %dma_wait3A_37 = arith.constant 0 : i32
      %dma_wait3A_38 = tpu.memref_slice %arg5[%mul3A_2, %dma_wait3A_37] : memref<10240x64xf32, #tpu.memory_space<hbm>> -> memref<640x64xf32, #tpu.memory_space<hbm>>
      tpu.wait_dma2 semaphore(%run_scoped3A : memref<!tpu.dma_semaphore, #tpu.memory_space<semaphore_mem>>) src(%dma_wait3A_38 : memref<640x64xf32, #tpu.memory_space<hbm>>) dst(%dma_wait3A_36 : memref<640x64xf32, #tpu.memory_space<vmem_shared>>)
      tpu.yield
    }) : () -> ()
    %mul3A_5 = arith.constant 640 : i32
    %mul3A_6 = arith.muli %arg1, %mul3A_5 : i32
    %mul3A_7 = arith.constant 640 : i32
    %mul3A_8 = arith.muli %arg1, %mul3A_7 : i32
    "tpu.region"() ({
      %run_scoped3A = tpu.sem_alloc : memref<!tpu.dma_semaphore, #tpu.memory_space<semaphore_mem>>
      %dma_start3A_32 = arith.constant 0 : i32
      %dma_start3A_33 = tpu.memref_slice %arg13[%mul3A_8, %dma_start3A_32] : memref<10240x64xf32, #tpu.memory_space<vmem_shared>> -> memref<640x64xf32, #tpu.memory_space<vmem_shared>>
      %dma_start3A_34 = arith.constant 0 : i32
      %dma_start3A_35 = tpu.memref_slice %arg2[%mul3A_6, %dma_start3A_34] : memref<10240x64xf32, #tpu.memory_space<hbm>> -> memref<640x64xf32, #tpu.memory_space<hbm>>
      tpu.enqueue_dma source(%dma_start3A_35 : memref<640x64xf32, #tpu.memory_space<hbm>>) target(%dma_start3A_33 : memref<640x64xf32, #tpu.memory_space<vmem_shared>>) target_semaphore(%run_scoped3A : memref<!tpu.dma_semaphore, #tpu.memory_space<semaphore_mem>>)
      %dma_wait3A = arith.constant 0 : i32
      %dma_wait3A_36 = tpu.memref_slice %arg13[%mul3A_8, %dma_wait3A] : memref<10240x64xf32, #tpu.memory_space<vmem_shared>> -> memref<640x64xf32, #tpu.memory_space<vmem_shared>>
      %dma_wait3A_37 = arith.constant 0 : i32
      %dma_wait3A_38 = tpu.memref_slice %arg2[%mul3A_6, %dma_wait3A_37] : memref<10240x64xf32, #tpu.memory_space<hbm>> -> memref<640x64xf32, #tpu.memory_space<hbm>>
      tpu.wait_dma2 semaphore(%run_scoped3A : memref<!tpu.dma_semaphore, #tpu.memory_space<semaphore_mem>>) src(%dma_wait3A_38 : memref<640x64xf32, #tpu.memory_space<hbm>>) dst(%dma_wait3A_36 : memref<640x64xf32, #tpu.memory_space<vmem_shared>>)
      tpu.yield
    }) : () -> ()
    "tpu.region"() ({
      %run_scoped3A = tpu.sem_alloc : memref<!tpu.dma_semaphore, #tpu.memory_space<semaphore_mem>>
      %dma_start3A_32 = arith.constant 0 : i32
      %dma_start3A_33 = arith.constant 0 : i32
      %dma_start3A_34 = tpu.memref_slice %arg3[%add3A, %dma_start3A_32, %dma_start3A_33] : memref<32x80x128xi32, #tpu.memory_space<hbm>> -> memref<1x80x128xi32, #tpu.memory_space<hbm>>
      %dma_start3A_35 = tpu.memref_squeeze %dma_start3A_34 : memref<1x80x128xi32, #tpu.memory_space<hbm>> -> memref<80x128xi32, #tpu.memory_space<hbm>>
      %dma_start3A_36 = arith.constant 0 : i32
      %dma_start3A_37 = arith.constant 0 : i32
      %dma_start3A_38 = tpu.memref_slice %arg3[%add3A, %dma_start3A_36, %dma_start3A_37] : memref<32x80x128xi32, #tpu.memory_space<hbm>> -> memref<1x80x128xi32, #tpu.memory_space<hbm>>
      %dma_start3A_39 = tpu.memref_squeeze %dma_start3A_38 : memref<1x80x128xi32, #tpu.memory_space<hbm>> -> memref<80x128xi32, #tpu.memory_space<hbm>>
      tpu.enqueue_dma source(%dma_start3A_39 : memref<80x128xi32, #tpu.memory_space<hbm>>) target(%arg8 : memref<80x128xi32, #tpu.memory_space<vmem>>) target_semaphore(%run_scoped3A : memref<!tpu.dma_semaphore, #tpu.memory_space<semaphore_mem>>)
      %dma_wait3A = arith.constant 0 : i32
      %dma_wait3A_40 = arith.constant 0 : i32
      %dma_wait3A_41 = tpu.memref_slice %arg3[%add3A, %dma_wait3A, %dma_wait3A_40] : memref<32x80x128xi32, #tpu.memory_space<hbm>> -> memref<1x80x128xi32, #tpu.memory_space<hbm>>
      %dma_wait3A_42 = tpu.memref_squeeze %dma_wait3A_41 : memref<1x80x128xi32, #tpu.memory_space<hbm>> -> memref<80x128xi32, #tpu.memory_space<hbm>>
      %dma_wait3A_43 = arith.constant 0 : i32
      %dma_wait3A_44 = arith.constant 0 : i32
      %dma_wait3A_45 = tpu.memref_slice %arg3[%add3A, %dma_wait3A_43, %dma_wait3A_44] : memref<32x80x128xi32, #tpu.memory_space<hbm>> -> memref<1x80x128xi32, #tpu.memory_space<hbm>>
      %dma_wait3A_46 = tpu.memref_squeeze %dma_wait3A_45 : memref<1x80x128xi32, #tpu.memory_space<hbm>> -> memref<80x128xi32, #tpu.memory_space<hbm>>
      tpu.wait_dma2 semaphore(%run_scoped3A : memref<!tpu.dma_semaphore, #tpu.memory_space<semaphore_mem>>) src(%dma_wait3A_46 : memref<80x128xi32, #tpu.memory_space<hbm>>) dst(%arg8 : memref<80x128xi32, #tpu.memory_space<vmem>>)
      tpu.yield
    }) : () -> ()
    "tpu.region"() ({
      %run_scoped3A = tpu.sem_alloc : memref<!tpu.dma_semaphore, #tpu.memory_space<semaphore_mem>>
      %dma_start3A_32 = arith.constant 0 : i32
      %dma_start3A_33 = arith.constant 0 : i32
      %dma_start3A_34 = tpu.memref_slice %arg4[%add3A, %dma_start3A_32, %dma_start3A_33] : memref<32x80x128xi32, #tpu.memory_space<hbm>> -> memref<1x80x128xi32, #tpu.memory_space<hbm>>
      %dma_start3A_35 = tpu.memref_squeeze %dma_start3A_34 : memref<1x80x128xi32, #tpu.memory_space<hbm>> -> memref<80x128xi32, #tpu.memory_space<hbm>>
      %dma_start3A_36 = arith.constant 0 : i32
      %dma_start3A_37 = arith.constant 0 : i32
      %dma_start3A_38 = tpu.memref_slice %arg4[%add3A, %dma_start3A_36, %dma_start3A_37] : memref<32x80x128xi32, #tpu.memory_space<hbm>> -> memref<1x80x128xi32, #tpu.memory_space<hbm>>
      %dma_start3A_39 = tpu.memref_squeeze %dma_start3A_38 : memref<1x80x128xi32, #tpu.memory_space<hbm>> -> memref<80x128xi32, #tpu.memory_space<hbm>>
      tpu.enqueue_dma source(%dma_start3A_39 : memref<80x128xi32, #tpu.memory_space<hbm>>) target(%arg9 : memref<80x128xi32, #tpu.memory_space<vmem>>) target_semaphore(%run_scoped3A : memref<!tpu.dma_semaphore, #tpu.memory_space<semaphore_mem>>)
      %dma_wait3A = arith.constant 0 : i32
      %dma_wait3A_40 = arith.constant 0 : i32
      %dma_wait3A_41 = tpu.memref_slice %arg4[%add3A, %dma_wait3A, %dma_wait3A_40] : memref<32x80x128xi32, #tpu.memory_space<hbm>> -> memref<1x80x128xi32, #tpu.memory_space<hbm>>
      %dma_wait3A_42 = tpu.memref_squeeze %dma_wait3A_41 : memref<1x80x128xi32, #tpu.memory_space<hbm>> -> memref<80x128xi32, #tpu.memory_space<hbm>>
      %dma_wait3A_43 = arith.constant 0 : i32
      %dma_wait3A_44 = arith.constant 0 : i32
      %dma_wait3A_45 = tpu.memref_slice %arg4[%add3A, %dma_wait3A_43, %dma_wait3A_44] : memref<32x80x128xi32, #tpu.memory_space<hbm>> -> memref<1x80x128xi32, #tpu.memory_space<hbm>>
      %dma_wait3A_46 = tpu.memref_squeeze %dma_wait3A_45 : memref<1x80x128xi32, #tpu.memory_space<hbm>> -> memref<80x128xi32, #tpu.memory_space<hbm>>
      tpu.wait_dma2 semaphore(%run_scoped3A : memref<!tpu.dma_semaphore, #tpu.memory_space<semaphore_mem>>) src(%dma_wait3A_46 : memref<80x128xi32, #tpu.memory_space<hbm>>) dst(%arg9 : memref<80x128xi32, #tpu.memory_space<vmem>>)
      tpu.yield
    }) : () -> ()
    %barrier3A = arith.constant 0 : index
    tpu.barrier barrier_id(%barrier3A)
    %dma_start3A = arith.constant 0 : i32
    %dma_start3A_9 = arith.constant 0 : i32
    %dma_start3A_10 = tpu.memref_slice %arg8[%dma_start3A, %dma_start3A_9] : memref<80x128xi32, #tpu.memory_space<vmem>> -> memref<1x128xi32, #tpu.memory_space<vmem>>
    %dma_start3A_11 = tpu.memref_squeeze %dma_start3A_10 : memref<1x128xi32, #tpu.memory_space<vmem>> -> memref<128xi32, #tpu.memory_space<vmem>>
    %dma_start3A_12 = arith.constant 0 : i32
    %dma_start3A_13 = arith.constant 0 : i32
    %dma_start3A_14 = tpu.memref_slice %arg13[%dma_start3A_12, %dma_start3A_13] : memref<10240x64xf32, #tpu.memory_space<vmem_shared>> -> memref<10240x64xf32, #tpu.memory_space<vmem_shared>>
    tpu.enqueue_indirect_dma source(%dma_start3A_14 : memref<10240x64xf32, #tpu.memory_space<vmem_shared>>) target(%arg10 : memref<128x64xf32, #tpu.memory_space<vmem>>) offsets(%dma_start3A_11 : memref<128xi32, #tpu.memory_space<vmem>>) semaphore(%arg14 : memref<!tpu.dma_semaphore, #tpu.memory_space<semaphore_mem>>)
    %dma_start3A_15 = arith.constant 1 : i32
    %dma_start3A_16 = arith.constant 0 : i32
    %dma_start3A_17 = tpu.memref_slice %arg8[%dma_start3A_15, %dma_start3A_16] : memref<80x128xi32, #tpu.memory_space<vmem>> -> memref<1x128xi32, #tpu.memory_space<vmem>>
    %dma_start3A_18 = tpu.memref_squeeze %dma_start3A_17 : memref<1x128xi32, #tpu.memory_space<vmem>> -> memref<128xi32, #tpu.memory_space<vmem>>
    %dma_start3A_19 = arith.constant 0 : i32
    %dma_start3A_20 = arith.constant 0 : i32
    %dma_start3A_21 = tpu.memref_slice %arg13[%dma_start3A_19, %dma_start3A_20] : memref<10240x64xf32, #tpu.memory_space<vmem_shared>> -> memref<10240x64xf32, #tpu.memory_space<vmem_shared>>
    tpu.enqueue_indirect_dma source(%dma_start3A_21 : memref<10240x64xf32, #tpu.memory_space<vmem_shared>>) target(%arg11 : memref<128x64xf32, #tpu.memory_space<vmem>>) offsets(%dma_start3A_18 : memref<128xi32, #tpu.memory_space<vmem>>) semaphore(%arg15 : memref<!tpu.dma_semaphore, #tpu.memory_space<semaphore_mem>>)
    %scan3A = arith.constant 0 : i32
    %scan3A_22 = arith.constant 0 : i32
    %scan3A_23 = arith.constant 40 : i32
    %scan3A_24 = arith.addi %scan3A_22, %scan3A_23 : i32
    %scan3A_25 = arith.constant 1 : i32
    scf.for %scan3A_32 = %scan3A_22 to %scan3A_24 step %scan3A_25  : i32 {
      %mul3A_33 = arith.constant 2 : i32
      %mul3A_34 = arith.muli %scan3A_32, %mul3A_33 : i32
      %dma_wait3A = arith.constant 0 : i32
      %dma_wait3A_35 = tpu.memref_slice %arg8[%mul3A_34, %dma_wait3A] : memref<80x128xi32, #tpu.memory_space<vmem>> -> memref<1x128xi32, #tpu.memory_space<vmem>>
      %dma_wait3A_36 = tpu.memref_squeeze %dma_wait3A_35 : memref<1x128xi32, #tpu.memory_space<vmem>> -> memref<128xi32, #tpu.memory_space<vmem>>
      %dma_wait3A_37 = arith.constant 0 : i32
      %dma_wait3A_38 = arith.constant 0 : i32
      %dma_wait3A_39 = tpu.memref_slice %arg13[%dma_wait3A_37, %dma_wait3A_38] : memref<10240x64xf32, #tpu.memory_space<vmem_shared>> -> memref<10240x64xf32, #tpu.memory_space<vmem_shared>>
      tpu.wait_indirect_dma semaphore(%arg14 : memref<!tpu.dma_semaphore, #tpu.memory_space<semaphore_mem>>) src(%dma_wait3A_39 : memref<10240x64xf32, #tpu.memory_space<vmem_shared>>) dst(%arg10 : memref<128x64xf32, #tpu.memory_space<vmem>>)
      "tpu.region"() ({
        %run_scoped3A = tpu.sem_alloc : memref<!tpu.dma_semaphore, #tpu.memory_space<semaphore_mem>>
        %dma_start3A_61 = arith.constant 0 : i32
        %dma_start3A_62 = tpu.memref_slice %arg9[%mul3A_34, %dma_start3A_61] : memref<80x128xi32, #tpu.memory_space<vmem>> -> memref<1x128xi32, #tpu.memory_space<vmem>>
        %dma_start3A_63 = tpu.memref_squeeze %dma_start3A_62 : memref<1x128xi32, #tpu.memory_space<vmem>> -> memref<128xi32, #tpu.memory_space<vmem>>
        %dma_start3A_64 = arith.constant 0 : i32
        %dma_start3A_65 = arith.constant 0 : i32
        %dma_start3A_66 = tpu.memref_slice %arg12[%dma_start3A_64, %dma_start3A_65] : memref<10240x64xf32, #tpu.memory_space<vmem_shared>> -> memref<10240x64xf32, #tpu.memory_space<vmem_shared>>
        tpu.enqueue_indirect_dma source(%arg10 : memref<128x64xf32, #tpu.memory_space<vmem>>) target(%dma_start3A_66 : memref<10240x64xf32, #tpu.memory_space<vmem_shared>>) offsets(%dma_start3A_63 : memref<128xi32, #tpu.memory_space<vmem>>) semaphore(%run_scoped3A : memref<!tpu.dma_semaphore, #tpu.memory_space<semaphore_mem>>) {add = true}
        %dma_wait3A_67 = arith.constant 0 : i32
        %dma_wait3A_68 = tpu.memref_slice %arg9[%mul3A_34, %dma_wait3A_67] : memref<80x128xi32, #tpu.memory_space<vmem>> -> memref<1x128xi32, #tpu.memory_space<vmem>>
        %dma_wait3A_69 = tpu.memref_squeeze %dma_wait3A_68 : memref<1x128xi32, #tpu.memory_space<vmem>> -> memref<128xi32, #tpu.memory_space<vmem>>
        %dma_wait3A_70 = arith.constant 0 : i32
        %dma_wait3A_71 = arith.constant 0 : i32
        %dma_wait3A_72 = tpu.memref_slice %arg12[%dma_wait3A_70, %dma_wait3A_71] : memref<10240x64xf32, #tpu.memory_space<vmem_shared>> -> memref<10240x64xf32, #tpu.memory_space<vmem_shared>>
        tpu.wait_indirect_dma semaphore(%run_scoped3A : memref<!tpu.dma_semaphore, #tpu.memory_space<semaphore_mem>>) src(%arg10 : memref<128x64xf32, #tpu.memory_space<vmem>>) dst(%dma_wait3A_72 : memref<10240x64xf32, #tpu.memory_space<vmem_shared>>)
        tpu.yield
      }) : () -> ()
      %add3A_40 = arith.constant 2 : i32
      %add3A_41 = arith.addi %mul3A_34, %add3A_40 : i32
      %lt3A = arith.constant 80 : i32
      %lt3A_42 = arith.cmpi slt, %add3A_41, %lt3A : i32
      %convert_element_type3A = arith.extui %lt3A_42 : i1 to i32
      %cond3A = arith.constant 0 : i32
      %cond3A_43 = arith.cmpi ne, %convert_element_type3A, %cond3A : i32
      scf.if %cond3A_43 {
        %add3A_61 = arith.constant 2 : i32
        %add3A_62 = arith.addi %mul3A_34, %add3A_61 : i32
        %dma_start3A_63 = arith.constant 0 : i32
        %dma_start3A_64 = tpu.memref_slice %arg8[%add3A_62, %dma_start3A_63] : memref<80x128xi32, #tpu.memory_space<vmem>> -> memref<1x128xi32, #tpu.memory_space<vmem>>
        %dma_start3A_65 = tpu.memref_squeeze %dma_start3A_64 : memref<1x128xi32, #tpu.memory_space<vmem>> -> memref<128xi32, #tpu.memory_space<vmem>>
        %dma_start3A_66 = arith.constant 0 : i32
        %dma_start3A_67 = arith.constant 0 : i32
        %dma_start3A_68 = tpu.memref_slice %arg13[%dma_start3A_66, %dma_start3A_67] : memref<10240x64xf32, #tpu.memory_space<vmem_shared>> -> memref<10240x64xf32, #tpu.memory_space<vmem_shared>>
        tpu.enqueue_indirect_dma source(%dma_start3A_68 : memref<10240x64xf32, #tpu.memory_space<vmem_shared>>) target(%arg10 : memref<128x64xf32, #tpu.memory_space<vmem>>) offsets(%dma_start3A_65 : memref<128xi32, #tpu.memory_space<vmem>>) semaphore(%arg14 : memref<!tpu.dma_semaphore, #tpu.memory_space<semaphore_mem>>)
      } else {
      }
      %add3A_44 = arith.constant 1 : i32
      %add3A_45 = arith.addi %mul3A_34, %add3A_44 : i32
      %dma_wait3A_46 = arith.constant 0 : i32
      %dma_wait3A_47 = tpu.memref_slice %arg8[%add3A_45, %dma_wait3A_46] : memref<80x128xi32, #tpu.memory_space<vmem>> -> memref<1x128xi32, #tpu.memory_space<vmem>>
      %dma_wait3A_48 = tpu.memref_squeeze %dma_wait3A_47 : memref<1x128xi32, #tpu.memory_space<vmem>> -> memref<128xi32, #tpu.memory_space<vmem>>
      %dma_wait3A_49 = arith.constant 0 : i32
      %dma_wait3A_50 = arith.constant 0 : i32
      %dma_wait3A_51 = tpu.memref_slice %arg13[%dma_wait3A_49, %dma_wait3A_50] : memref<10240x64xf32, #tpu.memory_space<vmem_shared>> -> memref<10240x64xf32, #tpu.memory_space<vmem_shared>>
      tpu.wait_indirect_dma semaphore(%arg15 : memref<!tpu.dma_semaphore, #tpu.memory_space<semaphore_mem>>) src(%dma_wait3A_51 : memref<10240x64xf32, #tpu.memory_space<vmem_shared>>) dst(%arg11 : memref<128x64xf32, #tpu.memory_space<vmem>>)
      %add3A_52 = arith.constant 1 : i32
      %add3A_53 = arith.addi %mul3A_34, %add3A_52 : i32
      "tpu.region"() ({
        %run_scoped3A = tpu.sem_alloc : memref<!tpu.dma_semaphore, #tpu.memory_space<semaphore_mem>>
        %dma_start3A_61 = arith.constant 0 : i32
        %dma_start3A_62 = tpu.memref_slice %arg9[%add3A_53, %dma_start3A_61] : memref<80x128xi32, #tpu.memory_space<vmem>> -> memref<1x128xi32, #tpu.memory_space<vmem>>
        %dma_start3A_63 = tpu.memref_squeeze %dma_start3A_62 : memref<1x128xi32, #tpu.memory_space<vmem>> -> memref<128xi32, #tpu.memory_space<vmem>>
        %dma_start3A_64 = arith.constant 0 : i32
        %dma_start3A_65 = arith.constant 0 : i32
        %dma_start3A_66 = tpu.memref_slice %arg12[%dma_start3A_64, %dma_start3A_65] : memref<10240x64xf32, #tpu.memory_space<vmem_shared>> -> memref<10240x64xf32, #tpu.memory_space<vmem_shared>>
        tpu.enqueue_indirect_dma source(%arg11 : memref<128x64xf32, #tpu.memory_space<vmem>>) target(%dma_start3A_66 : memref<10240x64xf32, #tpu.memory_space<vmem_shared>>) offsets(%dma_start3A_63 : memref<128xi32, #tpu.memory_space<vmem>>) semaphore(%run_scoped3A : memref<!tpu.dma_semaphore, #tpu.memory_space<semaphore_mem>>) {add = true}
        %dma_wait3A_67 = arith.constant 0 : i32
        %dma_wait3A_68 = tpu.memref_slice %arg9[%add3A_53, %dma_wait3A_67] : memref<80x128xi32, #tpu.memory_space<vmem>> -> memref<1x128xi32, #tpu.memory_space<vmem>>
        %dma_wait3A_69 = tpu.memref_squeeze %dma_wait3A_68 : memref<1x128xi32, #tpu.memory_space<vmem>> -> memref<128xi32, #tpu.memory_space<vmem>>
        %dma_wait3A_70 = arith.constant 0 : i32
        %dma_wait3A_71 = arith.constant 0 : i32
        %dma_wait3A_72 = tpu.memref_slice %arg12[%dma_wait3A_70, %dma_wait3A_71] : memref<10240x64xf32, #tpu.memory_space<vmem_shared>> -> memref<10240x64xf32, #tpu.memory_space<vmem_shared>>
        tpu.wait_indirect_dma semaphore(%run_scoped3A : memref<!tpu.dma_semaphore, #tpu.memory_space<semaphore_mem>>) src(%arg11 : memref<128x64xf32, #tpu.memory_space<vmem>>) dst(%dma_wait3A_72 : memref<10240x64xf32, #tpu.memory_space<vmem_shared>>)
        tpu.yield
      }) : () -> ()
      %add3A_54 = arith.constant 3 : i32
      %add3A_55 = arith.addi %mul3A_34, %add3A_54 : i32
      %lt3A_56 = arith.constant 80 : i32
      %lt3A_57 = arith.cmpi slt, %add3A_55, %lt3A_56 : i32
      %convert_element_type3A_58 = arith.extui %lt3A_57 : i1 to i32
      %cond3A_59 = arith.constant 0 : i32
      %cond3A_60 = arith.cmpi ne, %convert_element_type3A_58, %cond3A_59 : i32
      scf.if %cond3A_60 {
        %add3A_61 = arith.constant 3 : i32
        %add3A_62 = arith.addi %mul3A_34, %add3A_61 : i32
        %dma_start3A_63 = arith.constant 0 : i32
        %dma_start3A_64 = tpu.memref_slice %arg8[%add3A_62, %dma_start3A_63] : memref<80x128xi32, #tpu.memory_space<vmem>> -> memref<1x128xi32, #tpu.memory_space<vmem>>
        %dma_start3A_65 = tpu.memref_squeeze %dma_start3A_64 : memref<1x128xi32, #tpu.memory_space<vmem>> -> memref<128xi32, #tpu.memory_space<vmem>>
        %dma_start3A_66 = arith.constant 0 : i32
        %dma_start3A_67 = arith.constant 0 : i32
        %dma_start3A_68 = tpu.memref_slice %arg13[%dma_start3A_66, %dma_start3A_67] : memref<10240x64xf32, #tpu.memory_space<vmem_shared>> -> memref<10240x64xf32, #tpu.memory_space<vmem_shared>>
        tpu.enqueue_indirect_dma source(%dma_start3A_68 : memref<10240x64xf32, #tpu.memory_space<vmem_shared>>) target(%arg11 : memref<128x64xf32, #tpu.memory_space<vmem>>) offsets(%dma_start3A_65 : memref<128xi32, #tpu.memory_space<vmem>>) semaphore(%arg15 : memref<!tpu.dma_semaphore, #tpu.memory_space<semaphore_mem>>)
      } else {
      }
    }
    %scan3A_26 = arith.constant 40 : i32
    %barrier3A_27 = arith.constant 0 : index
    tpu.barrier barrier_id(%barrier3A_27)
    %mul3A_28 = arith.constant 640 : i32
    %mul3A_29 = arith.muli %arg1, %mul3A_28 : i32
    %mul3A_30 = arith.constant 640 : i32
    %mul3A_31 = arith.muli %arg1, %mul3A_30 : i32
    "tpu.region"() ({
      %run_scoped3A = tpu.sem_alloc : memref<!tpu.dma_semaphore, #tpu.memory_space<semaphore_mem>>
      %dma_start3A_32 = arith.constant 0 : i32
      %dma_start3A_33 = arith.constant 0 : i32
      %dma_start3A_34 = tpu.memref_slice %arg7[%arg0, %dma_start3A_32, %dma_start3A_33] : memref<2x10240x64xf32, #tpu.memory_space<hbm>> -> memref<1x10240x64xf32, #tpu.memory_space<hbm>>
      %dma_start3A_35 = tpu.memref_squeeze %dma_start3A_34 : memref<1x10240x64xf32, #tpu.memory_space<hbm>> -> memref<10240x64xf32, #tpu.memory_space<hbm>>
      %dma_start3A_36 = arith.constant 0 : i32
      %dma_start3A_37 = tpu.memref_slice %dma_start3A_35[%mul3A_31, %dma_start3A_36] : memref<10240x64xf32, #tpu.memory_space<hbm>> -> memref<640x64xf32, #tpu.memory_space<hbm>>
      %dma_start3A_38 = arith.constant 0 : i32
      %dma_start3A_39 = tpu.memref_slice %arg12[%mul3A_29, %dma_start3A_38] : memref<10240x64xf32, #tpu.memory_space<vmem_shared>> -> memref<640x64xf32, #tpu.memory_space<vmem_shared>>
      tpu.enqueue_dma source(%dma_start3A_39 : memref<640x64xf32, #tpu.memory_space<vmem_shared>>) target(%dma_start3A_37 : memref<640x64xf32, #tpu.memory_space<hbm>>) target_semaphore(%run_scoped3A : memref<!tpu.dma_semaphore, #tpu.memory_space<semaphore_mem>>)
      %dma_wait3A = arith.constant 0 : i32
      %dma_wait3A_40 = arith.constant 0 : i32
      %dma_wait3A_41 = tpu.memref_slice %arg7[%arg0, %dma_wait3A, %dma_wait3A_40] : memref<2x10240x64xf32, #tpu.memory_space<hbm>> -> memref<1x10240x64xf32, #tpu.memory_space<hbm>>
      %dma_wait3A_42 = tpu.memref_squeeze %dma_wait3A_41 : memref<1x10240x64xf32, #tpu.memory_space<hbm>> -> memref<10240x64xf32, #tpu.memory_space<hbm>>
      %dma_wait3A_43 = arith.constant 0 : i32
      %dma_wait3A_44 = tpu.memref_slice %dma_wait3A_42[%mul3A_31, %dma_wait3A_43] : memref<10240x64xf32, #tpu.memory_space<hbm>> -> memref<640x64xf32, #tpu.memory_space<hbm>>
      %dma_wait3A_45 = arith.constant 0 : i32
      %dma_wait3A_46 = tpu.memref_slice %arg12[%mul3A_29, %dma_wait3A_45] : memref<10240x64xf32, #tpu.memory_space<vmem_shared>> -> memref<640x64xf32, #tpu.memory_space<vmem_shared>>
      tpu.wait_dma2 semaphore(%run_scoped3A : memref<!tpu.dma_semaphore, #tpu.memory_space<semaphore_mem>>) src(%dma_wait3A_46 : memref<640x64xf32, #tpu.memory_space<vmem_shared>>) dst(%dma_wait3A_44 : memref<640x64xf32, #tpu.memory_space<hbm>>)
      tpu.yield
    }) : () -> ()
    return
  }
}

module attributes {stable_mosaic.version = 14 : i64} {
  func.func @body(%arg0: i32, %arg1: memref<1024x128xf32, #tpu.memory_space<vmem>>, %arg2: memref<1024x256xf32, #tpu.memory_space<vmem>>, %arg3: memref<256x128xf32, #tpu.memory_space<vmem>>, %arg4: memref<1024x128xf32, #tpu.memory_space<vmem>>) attributes {dimension_semantics = [#tpu.dimension_semantics<arbitrary>], iteration_bounds = array<i64: 5>, scalar_prefetch = 0 : i64, scratch_operands = 0 : i64, tpu.core_type = #tpu.core_type<tc>, window_params = [{transform_indices = @transform_0, window_bounds = array<i64: 1024, 128>}, {transform_indices = @transform_1, window_bounds = array<i64: 1024, 256>}, {pipeline_mode = #tpu.pipeline_mode<synchronous>, transform_indices = @transform_2, window_bounds = array<i64: 256, 128>}, {transform_indices = @transform_3, window_bounds = array<i64: 1024, 128>}]} {
    %get3A = arith.constant 0 : index
    %get3A_0 = arith.constant 0 : index
    %get3A_1 = vector.load %arg1[%get3A, %get3A_0] : memref<1024x128xf32, #tpu.memory_space<vmem>>, vector<1024x128xf32>
    %rsqrt3A = math.rsqrt %get3A_1 : vector<1024x128xf32>
    %get3A_2 = arith.constant 0 : index
    %get3A_3 = arith.constant 0 : index
    %get3A_4 = vector.load %arg2[%get3A_2, %get3A_3] : memref<1024x256xf32, #tpu.memory_space<vmem>>, vector<1024x256xf32>
    %get3A_5 = arith.constant 0 : index
    %get3A_6 = arith.constant 0 : index
    %get3A_7 = vector.load %arg3[%get3A_5, %get3A_6] : memref<256x128xf32, #tpu.memory_space<vmem>>, vector<256x128xf32>
    %dot_general3A = arith.constant dense<0.000000e+00> : vector<1024x128xf32>
    %dot_general3A_8 = tpu.matmul %get3A_4, %get3A_7, %dot_general3A {dimension_numbers = #tpu.dot_dimension_numbers<[1], [0], [0], [1], [0, 0, 1, 1], [], []>, transpose_lhs_hint = false} : vector<1024x256xf32>, vector<256x128xf32>, vector<1024x128xf32> -> vector<1024x128xf32>
    %mul3A = arith.mulf %rsqrt3A, %dot_general3A_8 : vector<1024x128xf32>
    %swap3A = arith.constant 0 : index
    %swap3A_9 = arith.constant 0 : index
    %swap3A_10 = vector.load %arg4[%swap3A, %swap3A_9] : memref<1024x128xf32, #tpu.memory_space<vmem>>, vector<1024x128xf32>
    tpu.vector_store %arg4[%swap3A, %swap3A_9], %mul3A {strides = array<i32>} : memref<1024x128xf32, #tpu.memory_space<vmem>>, vector<1024x128xf32>,
    return
  }
  func.func @transform_0(%arg0: i32) -> (i32, i32) {
    %c0_i32 = arith.constant 0 : i32
    %c0_i32_0 = arith.constant 0 : i32
    return %arg0, %c0_i32 : i32, i32
  }
  func.func @transform_1(%arg0: i32) -> (i32, i32) {
    %c0_i32 = arith.constant 0 : i32
    %c0_i32_0 = arith.constant 0 : i32
    return %arg0, %c0_i32 : i32, i32
  }
  func.func @transform_2(%arg0: i32) -> (i32, i32) {
    %c0_i32 = arith.constant 0 : i32
    %c0_i32_0 = arith.constant 0 : i32
    %c0_i32_1 = arith.constant 0 : i32
    return %c0_i32, %c0_i32_0 : i32, i32
  }
  func.func @transform_3(%arg0: i32) -> (i32, i32) {
    %c0_i32 = arith.constant 0 : i32
    %c0_i32_0 = arith.constant 0 : i32
    return %arg0, %c0_i32 : i32, i32
  }
}

module attributes {stable_mosaic.version = 14 : i64} {
  func.func @body(%arg0: i32, %arg1: memref<1024x128xf32, #tpu.memory_space<vmem>>, %arg2: memref<2x1024x128xf32, #tpu.memory_space<vmem>>, %arg3: memref<1024x128xf32, #tpu.memory_space<vmem>>, %arg4: memref<1x128xf32, #tpu.memory_space<vmem>>, %arg5: memref<128x128xf32, #tpu.memory_space<vmem>>, %arg6: memref<1024x128xf32, #tpu.memory_space<vmem>>) attributes {dimension_semantics = [#tpu.dimension_semantics<arbitrary>], iteration_bounds = array<i64: 5>, scalar_prefetch = 0 : i64, scratch_operands = 0 : i64, tpu.core_type = #tpu.core_type<tc>, window_params = [{transform_indices = @transform_0, window_bounds = array<i64: 1024, 128>}, {transform_indices = @transform_1, window_bounds = array<i64: 2, 1024, 128>}, {transform_indices = @transform_2, window_bounds = array<i64: 1024, 128>}, {pipeline_mode = #tpu.pipeline_mode<synchronous>, transform_indices = @transform_3, window_bounds = array<i64: 1, 128>}, {pipeline_mode = #tpu.pipeline_mode<synchronous>, transform_indices = @transform_4, window_bounds = array<i64: 128, 128>}, {transform_indices = @transform_5, window_bounds = array<i64: 1024, 128>}]} {
    %get3A = arith.constant 0 : index
    %get3A_0 = arith.constant 0 : index
    %get3A_1 = vector.load %arg1[%get3A, %get3A_0] : memref<1024x128xf32, #tpu.memory_space<vmem>>, vector<1024x128xf32>
    %rsqrt3A = math.rsqrt %get3A_1 : vector<1024x128xf32>
    %get3A_2 = arith.constant 0 : index
    %get3A_3 = arith.constant 0 : index
    %get3A_4 = arith.constant 0 : index
    %get3A_5 = vector.load %arg2[%get3A_2, %get3A_3, %get3A_4] : memref<2x1024x128xf32, #tpu.memory_space<vmem>>, vector<1x1024x128xf32>
    %get3A_6 = vector.shape_cast %get3A_5 : vector<1x1024x128xf32> to vector<1024x128xf32>
    %get3A_7 = arith.constant 1 : index
    %get3A_8 = arith.constant 0 : index
    %get3A_9 = arith.constant 0 : index
    %get3A_10 = vector.load %arg2[%get3A_7, %get3A_8, %get3A_9] : memref<2x1024x128xf32, #tpu.memory_space<vmem>>, vector<1x1024x128xf32>
    %get3A_11 = vector.shape_cast %get3A_10 : vector<1x1024x128xf32> to vector<1024x128xf32>
    %add3A = arith.addf %get3A_6, %get3A_11 : vector<1024x128xf32>
    %get3A_12 = arith.constant 0 : index
    %get3A_13 = arith.constant 0 : index
    %get3A_14 = vector.load %arg3[%get3A_12, %get3A_13] : memref<1024x128xf32, #tpu.memory_space<vmem>>, vector<1024x128xf32>
    %add3A_15 = arith.addf %add3A, %get3A_14 : vector<1024x128xf32>
    %mul3A = arith.mulf %rsqrt3A, %add3A_15 : vector<1024x128xf32>
    %get3A_16 = arith.constant 0 : index
    %get3A_17 = arith.constant 0 : index
    %get3A_18 = vector.load %arg4[%get3A_16, %get3A_17] : memref<1x128xf32, #tpu.memory_space<vmem>>, vector<1x128xf32>
    %add3A_19 = vector.broadcast %get3A_18 : vector<1x128xf32> to vector<1024x128xf32>
    %add3A_20 = arith.addf %mul3A, %add3A_19 : vector<1024x128xf32>
    %max3A = arith.constant 0.000000e+00 : f32
    %max3A_21 = vector.broadcast %max3A : f32 to vector<1024x128xf32>
    %max3A_22 = arith.maximumf %add3A_20, %max3A_21 : vector<1024x128xf32>
    %get3A_23 = arith.constant 0 : index
    %get3A_24 = arith.constant 0 : index
    %get3A_25 = vector.load %arg5[%get3A_23, %get3A_24] : memref<128x128xf32, #tpu.memory_space<vmem>>, vector<128x128xf32>
    %dot_general3A = arith.constant dense<0.000000e+00> : vector<1024x128xf32>
    %dot_general3A_26 = tpu.matmul %max3A_22, %get3A_25, %dot_general3A {dimension_numbers = #tpu.dot_dimension_numbers<[1], [0], [0], [1], [0, 0, 1, 1], [], []>, transpose_lhs_hint = false} : vector<1024x128xf32>, vector<128x128xf32>, vector<1024x128xf32> -> vector<1024x128xf32>
    %mul3A_27 = arith.mulf %rsqrt3A, %dot_general3A_26 : vector<1024x128xf32>
    %swap3A = arith.constant 0 : index
    %swap3A_28 = arith.constant 0 : index
    %swap3A_29 = vector.load %arg6[%swap3A, %swap3A_28] : memref<1024x128xf32, #tpu.memory_space<vmem>>, vector<1024x128xf32>
    tpu.vector_store %arg6[%swap3A, %swap3A_28], %mul3A_27 {strides = array<i32>} : memref<1024x128xf32, #tpu.memory_space<vmem>>, vector<1024x128xf32>,
    return
  }
  func.func @transform_0(%arg0: i32) -> (i32, i32) {
    %c0_i32 = arith.constant 0 : i32
    %c0_i32_0 = arith.constant 0 : i32
    return %arg0, %c0_i32 : i32, i32
  }
  func.func @transform_1(%arg0: i32) -> (i32, i32, i32) {
    %c0_i32 = arith.constant 0 : i32
    %c0_i32_0 = arith.constant 0 : i32
    %c0_i32_1 = arith.constant 0 : i32
    return %c0_i32, %arg0, %c0_i32_0 : i32, i32, i32
  }
  func.func @transform_2(%arg0: i32) -> (i32, i32) {
    %c0_i32 = arith.constant 0 : i32
    %c0_i32_0 = arith.constant 0 : i32
    return %arg0, %c0_i32 : i32, i32
  }
  func.func @transform_3(%arg0: i32) -> (i32, i32) {
    %c0_i32 = arith.constant 0 : i32
    %c0_i32_0 = arith.constant 0 : i32
    %c0_i32_1 = arith.constant 0 : i32
    return %c0_i32, %c0_i32_0 : i32, i32
  }
  func.func @transform_4(%arg0: i32) -> (i32, i32) {
    %c0_i32 = arith.constant 0 : i32
    %c0_i32_0 = arith.constant 0 : i32
    %c0_i32_1 = arith.constant 0 : i32
    return %c0_i32, %c0_i32_0 : i32, i32
  }
  func.func @transform_5(%arg0: i32) -> (i32, i32) {
    %c0_i32 = arith.constant 0 : i32
    %c0_i32_0 = arith.constant 0 : i32
    return %arg0, %c0_i32 : i32, i32
  }
}

module attributes {stable_mosaic.version = 14 : i64} {
  func.func @body(%arg0: i32, %arg1: memref<1024x128xf32, #tpu.memory_space<vmem>>, %arg2: memref<2x1024x128xf32, #tpu.memory_space<vmem>>, %arg3: memref<1024x128xf32, #tpu.memory_space<vmem>>, %arg4: memref<1x128xf32, #tpu.memory_space<vmem>>, %arg5: memref<128x2xf32, #tpu.memory_space<vmem>>, %arg6: memref<1024x2xf32, #tpu.memory_space<vmem>>) attributes {dimension_semantics = [#tpu.dimension_semantics<arbitrary>], iteration_bounds = array<i64: 5>, scalar_prefetch = 0 : i64, scratch_operands = 0 : i64, tpu.core_type = #tpu.core_type<tc>, window_params = [{transform_indices = @transform_0, window_bounds = array<i64: 1024, 128>}, {transform_indices = @transform_1, window_bounds = array<i64: 2, 1024, 128>}, {transform_indices = @transform_2, window_bounds = array<i64: 1024, 128>}, {pipeline_mode = #tpu.pipeline_mode<synchronous>, transform_indices = @transform_3, window_bounds = array<i64: 1, 128>}, {pipeline_mode = #tpu.pipeline_mode<synchronous>, transform_indices = @transform_4, window_bounds = array<i64: 128, 2>}, {transform_indices = @transform_5, window_bounds = array<i64: 1024, 2>}]} {
    %get3A = arith.constant 0 : index
    %get3A_0 = arith.constant 0 : index
    %get3A_1 = vector.load %arg1[%get3A, %get3A_0] : memref<1024x128xf32, #tpu.memory_space<vmem>>, vector<1024x128xf32>
    %rsqrt3A = math.rsqrt %get3A_1 : vector<1024x128xf32>
    %get3A_2 = arith.constant 0 : index
    %get3A_3 = arith.constant 0 : index
    %get3A_4 = arith.constant 0 : index
    %get3A_5 = vector.load %arg2[%get3A_2, %get3A_3, %get3A_4] : memref<2x1024x128xf32, #tpu.memory_space<vmem>>, vector<1x1024x128xf32>
    %get3A_6 = vector.shape_cast %get3A_5 : vector<1x1024x128xf32> to vector<1024x128xf32>
    %get3A_7 = arith.constant 1 : index
    %get3A_8 = arith.constant 0 : index
    %get3A_9 = arith.constant 0 : index
    %get3A_10 = vector.load %arg2[%get3A_7, %get3A_8, %get3A_9] : memref<2x1024x128xf32, #tpu.memory_space<vmem>>, vector<1x1024x128xf32>
    %get3A_11 = vector.shape_cast %get3A_10 : vector<1x1024x128xf32> to vector<1024x128xf32>
    %add3A = arith.addf %get3A_6, %get3A_11 : vector<1024x128xf32>
    %get3A_12 = arith.constant 0 : index
    %get3A_13 = arith.constant 0 : index
    %get3A_14 = vector.load %arg3[%get3A_12, %get3A_13] : memref<1024x128xf32, #tpu.memory_space<vmem>>, vector<1024x128xf32>
    %add3A_15 = arith.addf %add3A, %get3A_14 : vector<1024x128xf32>
    %mul3A = arith.mulf %rsqrt3A, %add3A_15 : vector<1024x128xf32>
    %get3A_16 = arith.constant 0 : index
    %get3A_17 = arith.constant 0 : index
    %get3A_18 = vector.load %arg4[%get3A_16, %get3A_17] : memref<1x128xf32, #tpu.memory_space<vmem>>, vector<1x128xf32>
    %add3A_19 = vector.broadcast %get3A_18 : vector<1x128xf32> to vector<1024x128xf32>
    %add3A_20 = arith.addf %mul3A, %add3A_19 : vector<1024x128xf32>
    %max3A = arith.constant 0.000000e+00 : f32
    %max3A_21 = vector.broadcast %max3A : f32 to vector<1024x128xf32>
    %max3A_22 = arith.maximumf %add3A_20, %max3A_21 : vector<1024x128xf32>
    %get3A_23 = arith.constant 0 : index
    %get3A_24 = arith.constant 0 : index
    %get3A_25 = vector.load %arg5[%get3A_23, %get3A_24] : memref<128x2xf32, #tpu.memory_space<vmem>>, vector<128x2xf32>
    %dot_general3A = arith.constant dense<0.000000e+00> : vector<1024x2xf32>
    %dot_general3A_26 = tpu.matmul %max3A_22, %get3A_25, %dot_general3A {dimension_numbers = #tpu.dot_dimension_numbers<[1], [0], [0], [1], [0, 0, 1, 1], [], []>, transpose_lhs_hint = false} : vector<1024x128xf32>, vector<128x2xf32>, vector<1024x2xf32> -> vector<1024x2xf32>
    %slice3A = vector.extract_strided_slice %rsqrt3A {offsets = [0, 0], sizes = [1024, 1], strides = [1, 1]} : vector<1024x128xf32> to vector<1024x1xf32>
    %slice3A_27 = vector.extract_strided_slice %rsqrt3A {offsets = [0, 64], sizes = [1024, 1], strides = [1, 1]} : vector<1024x128xf32> to vector<1024x1xf32>
    %concatenate3A = tpu.concatenate %slice3A, %slice3A_27 in 1 : vector<1024x1xf32>, vector<1024x1xf32> -> vector<1024x2xf32>
    %mul3A_28 = arith.mulf %concatenate3A, %dot_general3A_26 : vector<1024x2xf32>
    %swap3A = arith.constant 0 : index
    %swap3A_29 = arith.constant 0 : index
    %swap3A_30 = vector.load %arg6[%swap3A, %swap3A_29] : memref<1024x2xf32, #tpu.memory_space<vmem>>, vector<1024x2xf32>
    tpu.vector_store %arg6[%swap3A, %swap3A_29], %mul3A_28 {strides = array<i32>} : memref<1024x2xf32, #tpu.memory_space<vmem>>, vector<1024x2xf32>,
    return
  }
  func.func @transform_0(%arg0: i32) -> (i32, i32) {
    %c0_i32 = arith.constant 0 : i32
    %c0_i32_0 = arith.constant 0 : i32
    return %arg0, %c0_i32 : i32, i32
  }
  func.func @transform_1(%arg0: i32) -> (i32, i32, i32) {
    %c0_i32 = arith.constant 0 : i32
    %c0_i32_0 = arith.constant 0 : i32
    %c0_i32_1 = arith.constant 0 : i32
    return %c0_i32, %arg0, %c0_i32_0 : i32, i32, i32
  }
  func.func @transform_2(%arg0: i32) -> (i32, i32) {
    %c0_i32 = arith.constant 0 : i32
    %c0_i32_0 = arith.constant 0 : i32
    return %arg0, %c0_i32 : i32, i32
  }
  func.func @transform_3(%arg0: i32) -> (i32, i32) {
    %c0_i32 = arith.constant 0 : i32
    %c0_i32_0 = arith.constant 0 : i32
    %c0_i32_1 = arith.constant 0 : i32
    return %c0_i32, %c0_i32_0 : i32, i32
  }
  func.func @transform_4(%arg0: i32) -> (i32, i32) {
    %c0_i32 = arith.constant 0 : i32
    %c0_i32_0 = arith.constant 0 : i32
    %c0_i32_1 = arith.constant 0 : i32
    return %c0_i32, %c0_i32_0 : i32, i32
  }
  func.func @transform_5(%arg0: i32) -> (i32, i32) {
    %c0_i32 = arith.constant 0 : i32
    %c0_i32_0 = arith.constant 0 : i32
    return %arg0, %c0_i32 : i32, i32
  }
}

module attributes {stable_mosaic.version = 14 : i64} {
  func.func @body(%arg0: i32, %arg1: memref<2048x1xf32, #tpu.memory_space<vmem>>, %arg2: memref<2048x1xf32, #tpu.memory_space<vmem>>, %arg3: memref<2048x1xf32, #tpu.memory_space<vmem>>, %arg4: memref<2048x1xf32, #tpu.memory_space<vmem>>, %arg5: memref<1x1xf32, #tpu.memory_space<vmem>>, %arg6: memref<1x64xf32, #tpu.memory_space<vmem>>, %arg7: memref<1x64xf32, #tpu.memory_space<vmem>>, %arg8: memref<64x1xf32, #tpu.memory_space<vmem>>, %arg9: memref<1x1xf32, #tpu.memory_space<vmem>>, %arg10: memref<2048x1xf32, #tpu.memory_space<vmem>>) attributes {dimension_semantics = [#tpu.dimension_semantics<arbitrary>], iteration_bounds = array<i64: 5>, scalar_prefetch = 0 : i64, scratch_operands = 0 : i64, tpu.core_type = #tpu.core_type<tc>, window_params = [{transform_indices = @transform_0, window_bounds = array<i64: 2048, 1>}, {transform_indices = @transform_1, window_bounds = array<i64: 2048, 1>}, {transform_indices = @transform_2, window_bounds = array<i64: 2048, 1>}, {transform_indices = @transform_3, window_bounds = array<i64: 2048, 1>}, {pipeline_mode = #tpu.pipeline_mode<synchronous>, transform_indices = @transform_4, window_bounds = array<i64: 1, 1>}, {pipeline_mode = #tpu.pipeline_mode<synchronous>, transform_indices = @transform_5, window_bounds = array<i64: 1, 64>}, {pipeline_mode = #tpu.pipeline_mode<synchronous>, transform_indices = @transform_6, window_bounds = array<i64: 1, 64>}, {pipeline_mode = #tpu.pipeline_mode<synchronous>, transform_indices = @transform_7, window_bounds = array<i64: 64, 1>}, {pipeline_mode = #tpu.pipeline_mode<synchronous>, transform_indices = @transform_8, window_bounds = array<i64: 1, 1>}, {transform_indices = @transform_9, window_bounds = array<i64: 2048, 1>}]} {
    %get3A = arith.constant 0 : index
    %get3A_0 = arith.constant 0 : index
    %get3A_1 = vector.load %arg1[%get3A, %get3A_0] : memref<2048x1xf32, #tpu.memory_space<vmem>>, vector<2048x1xf32>
    %rsqrt3A = math.rsqrt %get3A_1 : vector<2048x1xf32>
    %get3A_2 = arith.constant 0 : index
    %get3A_3 = arith.constant 0 : index
    %get3A_4 = vector.load %arg2[%get3A_2, %get3A_3] : memref<2048x1xf32, #tpu.memory_space<vmem>>, vector<2048x1xf32>
    %get3A_5 = arith.constant 0 : index
    %get3A_6 = arith.constant 0 : index
    %get3A_7 = vector.load %arg3[%get3A_5, %get3A_6] : memref<2048x1xf32, #tpu.memory_space<vmem>>, vector<2048x1xf32>
    %add3A = arith.addf %get3A_4, %get3A_7 : vector<2048x1xf32>
    %get3A_8 = arith.constant 0 : index
    %get3A_9 = arith.constant 0 : index
    %get3A_10 = vector.load %arg4[%get3A_8, %get3A_9] : memref<2048x1xf32, #tpu.memory_space<vmem>>, vector<2048x1xf32>
    %add3A_11 = arith.addf %add3A, %get3A_10 : vector<2048x1xf32>
    %mul3A = arith.mulf %rsqrt3A, %add3A_11 : vector<2048x1xf32>
    %get3A_12 = arith.constant 0 : index
    %get3A_13 = arith.constant 0 : index
    %get3A_14 = vector.load %arg5[%get3A_12, %get3A_13] : memref<1x1xf32, #tpu.memory_space<vmem>>, vector<1x1xf32>
    %add3A_15 = vector.broadcast %get3A_14 : vector<1x1xf32> to vector<2048x1xf32>
    %add3A_16 = arith.addf %mul3A, %add3A_15 : vector<2048x1xf32>
    %get3A_17 = arith.constant 0 : index
    %get3A_18 = arith.constant 0 : index
    %get3A_19 = vector.load %arg6[%get3A_17, %get3A_18] : memref<1x64xf32, #tpu.memory_space<vmem>>, vector<1x64xf32>
    %mul3A_20 = vector.broadcast %add3A_16 : vector<2048x1xf32> to vector<2048x64xf32>
    %mul3A_21 = vector.broadcast %get3A_19 : vector<1x64xf32> to vector<2048x64xf32>
    %mul3A_22 = arith.mulf %mul3A_20, %mul3A_21 : vector<2048x64xf32>
    %get3A_23 = arith.constant 0 : index
    %get3A_24 = arith.constant 0 : index
    %get3A_25 = vector.load %arg7[%get3A_23, %get3A_24] : memref<1x64xf32, #tpu.memory_space<vmem>>, vector<1x64xf32>
    %add3A_26 = vector.broadcast %get3A_25 : vector<1x64xf32> to vector<2048x64xf32>
    %add3A_27 = arith.addf %mul3A_22, %add3A_26 : vector<2048x64xf32>
    %max3A = arith.constant 0.000000e+00 : f32
    %max3A_28 = vector.broadcast %max3A : f32 to vector<2048x64xf32>
    %max3A_29 = arith.maximumf %add3A_27, %max3A_28 : vector<2048x64xf32>
    %get3A_30 = arith.constant 0 : index
    %get3A_31 = arith.constant 0 : index
    %get3A_32 = vector.load %arg8[%get3A_30, %get3A_31] : memref<64x1xf32, #tpu.memory_space<vmem>>, vector<64x1xf32>
    %dot_general3A = arith.constant dense<0.000000e+00> : vector<2048x1xf32>
    %dot_general3A_33 = tpu.matmul %max3A_29, %get3A_32, %dot_general3A {dimension_numbers = #tpu.dot_dimension_numbers<[1], [0], [0], [1], [0, 0, 1, 1], [], []>, transpose_lhs_hint = false} : vector<2048x64xf32>, vector<64x1xf32>, vector<2048x1xf32> -> vector<2048x1xf32>
    %get3A_34 = arith.constant 0 : index
    %get3A_35 = arith.constant 0 : index
    %get3A_36 = vector.load %arg9[%get3A_34, %get3A_35] : memref<1x1xf32, #tpu.memory_space<vmem>>, vector<1x1xf32>
    %add3A_37 = vector.broadcast %get3A_36 : vector<1x1xf32> to vector<2048x1xf32>
    %add3A_38 = arith.addf %dot_general3A_33, %add3A_37 : vector<2048x1xf32>
    %swap3A = arith.constant 0 : index
    %swap3A_39 = arith.constant 0 : index
    %swap3A_40 = vector.load %arg10[%swap3A, %swap3A_39] : memref<2048x1xf32, #tpu.memory_space<vmem>>, vector<2048x1xf32>
    tpu.vector_store %arg10[%swap3A, %swap3A_39], %add3A_38 {strides = array<i32>} : memref<2048x1xf32, #tpu.memory_space<vmem>>, vector<2048x1xf32>,
    return
  }
  func.func @transform_0(%arg0: i32) -> (i32, i32) {
    %c0_i32 = arith.constant 0 : i32
    %c0_i32_0 = arith.constant 0 : i32
    return %arg0, %c0_i32 : i32, i32
  }
  func.func @transform_1(%arg0: i32) -> (i32, i32) {
    %c0_i32 = arith.constant 0 : i32
    %c0_i32_0 = arith.constant 0 : i32
    return %arg0, %c0_i32 : i32, i32
  }
  func.func @transform_2(%arg0: i32) -> (i32, i32) {
    %c0_i32 = arith.constant 0 : i32
    %c0_i32_0 = arith.constant 0 : i32
    return %arg0, %c0_i32 : i32, i32
  }
  func.func @transform_3(%arg0: i32) -> (i32, i32) {
    %c0_i32 = arith.constant 0 : i32
    %c0_i32_0 = arith.constant 0 : i32
    return %arg0, %c0_i32 : i32, i32
  }
  func.func @transform_4(%arg0: i32) -> (i32, i32) {
    %c0_i32 = arith.constant 0 : i32
    %c0_i32_0 = arith.constant 0 : i32
    %c0_i32_1 = arith.constant 0 : i32
    return %c0_i32, %c0_i32_0 : i32, i32
  }
  func.func @transform_5(%arg0: i32) -> (i32, i32) {
    %c0_i32 = arith.constant 0 : i32
    %c0_i32_0 = arith.constant 0 : i32
    %c0_i32_1 = arith.constant 0 : i32
    return %c0_i32, %c0_i32_0 : i32, i32
  }
  func.func @transform_6(%arg0: i32) -> (i32, i32) {
    %c0_i32 = arith.constant 0 : i32
    %c0_i32_0 = arith.constant 0 : i32
    %c0_i32_1 = arith.constant 0 : i32
    return %c0_i32, %c0_i32_0 : i32, i32
  }
  func.func @transform_7(%arg0: i32) -> (i32, i32) {
    %c0_i32 = arith.constant 0 : i32
    %c0_i32_0 = arith.constant 0 : i32
    %c0_i32_1 = arith.constant 0 : i32
    return %c0_i32, %c0_i32_0 : i32, i32
  }
  func.func @transform_8(%arg0: i32) -> (i32, i32) {
    %c0_i32 = arith.constant 0 : i32
    %c0_i32_0 = arith.constant 0 : i32
    %c0_i32_1 = arith.constant 0 : i32
    return %c0_i32, %c0_i32_0 : i32, i32
  }
  func.func @transform_9(%arg0: i32) -> (i32, i32) {
    %c0_i32 = arith.constant 0 : i32
    %c0_i32_0 = arith.constant 0 : i32
    return %arg0, %c0_i32 : i32, i32
  }
}

</mosaic_0001>

<sc_bundles>
// kernel: kernel.10.cloned.1.call-start
scs
__scs_entry_jumppad:
0x0: {  	(pc) =	sbr.rel $0x88, $3  }
0x1: {  	(tag) =	ssettag $0x0;
	lr =	simm.s32 $0x1  }
0x2: {  	[smem:$0x3F95] =	sst lr;
	_ =	strace $0xD0000000  }
0x3: {  	_ = 	snop  }
0x4: {  	_ = 	snop  }
0x5: {  	_ = 	snop  }
0x6: {  	_ = 	snop  }
0x7: {  	_ = 	snop  }
__scs_overlays_trampoline_lowered:
0x8: {  	[smem:$0x3FA4] =	sst s0  }
0x9: {  	[smem:$0x3FA5] =	sst s1  }
0xa: {  	[smem:$0x3FA6] =	sst s2  }
0xb: {  	[smem:$0x3FA7] =	sst s3  }
0xc: {  	[smem:$0x3FA8] =	sst s4  }
0xd: {  	[smem:$0x3FA9] =	sst s5  }
0xe: {  	[smem:$0x3FAA] =	sst s6  }
0xf: {  	[smem:$0x3FAB] =	sst s7  }
0x10: {  	[smem:$0x3FAC] =	sst s8  }
0x11: {  	[smem:$0x3FAD] =	sst s9;
	s0 =	simm.s32 @!p0 $0x0  }
0x12: {  	s1 =	sld [smem:$0x3F93];
	s0 =	simm.s32 @p0 $0x1  }
0x13: {  	[smem:$0x3FAE] =	sst s0;
	s0 =	simm.s32 @!p1 $0x0  }
0x14: {  	s2 =	sld [smem:$0x3F92];
	s0 =	simm.s32 @p1 $0x1  }
0x15: {  	[smem:$0x3FAF] =	sst s0;
	s0 =	simm.s32 @!p2 $0x0  }
0x16: {  	s3 =	sld [smem:$0x3FDB];
	s0 =	simm.s32 @p2 $0x1  }
0x17: {  	s4 =	simm.s32 $0x1BF5;
	[smem:$0x3FB1] =	sst s0  }
0x18: {  	s0 =	sld [smem:$0x3F94];
	_ =	swait.ge [sflag:s4], $0x0  }
0x19: {  	s7 =	sld [smem:$0x3F95]  }
0x1a: {  	s8 =	sadd.s32 $0xFFFFE003, lr  }
0x1b: {  	s9 =	sadd.s32 $0xFFFFFEF7, lr;
	s5 =	simm.s32 $0xFFFFFFFF;
	p2 =	slt.u32 s8, $0xFFFFF086  }
0x1c: {  	p1 =	slt.u32 s9, $0xF7A;
	s5 =	simm.s32 @!p2 $0x0  }
0x1d: {  	s5 =	simm.s32 @p1 $0x1;
	p0 =	seq.s32 s7, s2  }
0x1e: {  	s7 =	smul.u32 @!p0 $0xF7A, s2;
	p2 =	seq.s32 @!p0 s5, $0x0  }
0x1f: {  	s9 =	smul.u32 $0xF7A, s1;
	s8 =	simm.s32 @!p0 $0x1BF5;
	p2 =	por !p2, p0  }
0x20: {  	[sflag:s8] =	ssyncset.s32 @!p0 $0xFFFFF086;
	s6 =	sadd.s32 @!p0 s3, s7;
	s7 =	simm.s32 @!p0 $0x108  }
0x21: {  	s3 =	sadd.s32 s3, s9;
	s6 =	sadd.s32 @!p0 $0x88, s6;
	s7 =	simm.s32 @p2 $0x1082  }
0x22: {  	[simem:s7], [sflag:s8] =	dma.local @!p0 [hbm:s6], $0xF7A  }
0x23: {  	s9 =	sor.u32 $0xD0000000, s2;
	s6 =	simm.s32 $0x108;
	_ =	swait.ge @!p0 [sflag:s8], $0x0  }
0x24: {  	s3 =	sadd.s32 $0x88, s3;
	s6 =	simm.s32 @!p1 $0x1082;
	[sflag:s4] =	ssyncset.s32 $0xFFFFF086  }
0x25: {  	[simem:s6], [sflag:s4] =	dma.local [hbm:s3], $0xF7A  }
0x26: {  	[smem:$0x3F95] =	sst s1;
	(tag) =	ssettag s2;
	_ =	strace s9  }
0x27: {  	s1 =	sld [smem:$0x3FA5]  }
0x28: {  	s2 =	sld [smem:$0x3FA6]  }
0x29: {  	s4 =	sld [smem:$0x3FA8]  }
0x2a: {  	p0 =	seq.s32 s5, $0x0;
	s5 =	sld [smem:$0x3FA9]  }
0x2b: {  	s6 =	sld [smem:$0x3FAA]  }
0x2c: {  	s7 =	sld [smem:$0x3FAB]  }
0x2d: {  	s3 =	simm.s32 $0x108;
	s8 =	sld [smem:$0x3FAC]  }
0x2e: {  	s3 =	simm.s32 @!p0 $0x1082;
	s9 =	sld [smem:$0x3FAD]  }
0x2f: {  	lr =	sadd.s32 s0, s3;
	s0 =	sld [smem:$0x3FA4]  }
0x30: {  	s3 =	sld [smem:$0x3FA7]  }
0x31: {  	[smem:$0x3FB0] =	sst s10  }
0x32: {  	s10 =	sld [smem:$0x3FAE];
	_ =	sdelay $0x3  }
0x33: {  	p0 =	seq.s32 s10, $0x1;
	s10 =	sld [smem:$0x3FB0];
	_ =	sdelay $0x3  }
0x34: {  	[smem:$0x3FB0] =	sst s10  }
0x35: {  	s10 =	sld [smem:$0x3FAF];
	_ =	sdelay $0x3  }
0x36: {  	p1 =	seq.s32 s10, $0x1;
	s10 =	sld [smem:$0x3FB0];
	_ =	sdelay $0x3  }
0x37: {  	[smem:$0x3FB0] =	sst s10  }
0x38: {  	s10 =	sld [smem:$0x3FB1]  }
0x39: {  	_ = 	snop;
	(pc) =	sbr.ind lr, $3  }
0x3a: {  	_ = 	snop  }
0x3b: {  	_ = 	snop  }
0x3c: {  	p2 =	seq.s32 s10, $0x1;
	s10 =	sld [smem:$0x3FB0]  }
0x3d: {  	_ =	shalt  }
0x3e: {  	_ =	shalt  }
0x3f: {  	_ =	shalt  }
0x40: {  	_ =	shalt  }
0x41: {  	_ =	shalt  }
0x42: {  	_ =	shalt  }
0x43: {  	_ =	shalt  }
0x44: {  	_ =	shalt  }
0x45: {  	_ =	shalt  }
0x46: {  	_ =	shalt  }
0x47: {  	_ =	shalt  }
0x48: {  	_ =	shalt  }
0x49: {  	_ =	shalt  }
0x4a: {  	_ =	shalt  }
0x4b: {  	_ =	shalt  }
0x4c: {  	_ =	shalt  }
0x4d: {  	_ =	shalt  }
0x4e: {  	_ =	shalt  }
0x4f: {  	_ =	shalt  }
0x50: {  	_ =	shalt  }
0x51: {  	_ =	shalt  }
0x52: {  	_ =	shalt  }
0x53: {  	_ =	shalt  }
0x54: {  	_ =	shalt  }
0x55: {  	_ =	shalt  }
0x56: {  	_ =	shalt  }
0x57: {  	_ =	shalt  }
0x58: {  	_ =	shalt  }
0x59: {  	_ =	shalt  }
0x5a: {  	_ =	shalt  }
0x5b: {  	_ =	shalt  }
0x5c: {  	_ =	shalt  }
0x5d: {  	_ =	shalt  }
0x5e: {  	_ =	shalt  }
0x5f: {  	_ =	shalt  }
0x60: {  	_ =	shalt  }
0x61: {  	_ =	shalt  }
0x62: {  	_ =	shalt  }
0x63: {  	_ =	shalt  }
0x64: {  	_ =	shalt  }
0x65: {  	_ =	shalt  }
0x66: {  	_ =	shalt  }
0x67: {  	_ =	shalt  }
0x68: {  	_ =	shalt  }
0x69: {  	_ =	shalt  }
0x6a: {  	_ =	shalt  }
0x6b: {  	_ =	shalt  }
0x6c: {  	_ =	shalt  }
0x6d: {  	_ =	shalt  }
0x6e: {  	_ =	shalt  }
0x6f: {  	_ =	shalt  }
0x70: {  	_ =	shalt  }
0x71: {  	_ =	shalt  }
0x72: {  	_ =	shalt  }
0x73: {  	_ =	shalt  }
0x74: {  	_ =	shalt  }
0x75: {  	_ =	shalt  }
0x76: {  	_ =	shalt  }
0x77: {  	_ =	shalt  }
0x78: {  	_ =	shalt  }
0x79: {  	_ =	shalt  }
0x7a: {  	_ =	shalt  }
0x7b: {  	_ =	shalt  }
0x7c: {  	_ =	shalt  }
0x7d: {  	_ =	shalt  }
0x7e: {  	_ =	shalt  }
0x7f: {  	_ =	shalt  }
0x80: {  	_ =	shalt  }
0x81: {  	_ =	shalt  }
0x82: {  	_ =	shalt  }
0x83: {  	_ =	shalt  }
0x84: {  	_ =	shalt  }
0x85: {  	_ =	shalt  }
0x86: {  	_ =	shalt  }
0x87: {  	_ =	shalt  }
.Lfunc_end0:
.L_simem_size_0:
called_computation_lowered:
.L_overlay_start_0:
0x88: {  	s2 =	sld [smem:$0x3FD9]  }
0x89: {  	s3 =	sld [smem:$0x3FFE];
	_ =	sdelay $0x1  }
0x8a: {  	s1 =	srdreg.scid  }
0x8b: {  	s0 =	sand.u32 $0x1, s1  }
0x8c: {  	s16 =	sshll.u32 s0, $0xA;
	s2 =	sadd.s32 s3, s2  }
0x8d: {  	s2 =	sadd.s32 s2, s16  }
0x8e: {  	[smem:$0x3FBC] =	sst s2  }
0x8f: {  	_ = 	snop  }
0x90: {  	(tm) =	ssettm $0x1  }
0x91: {  	s17 =	sld [smem:$0x3FFB];
	_ =	sdelay $0x3  }
0x92: {  	_ =	strace s17  }
0x93: {  	s2 =	sld [smem:$0x3FFC];
	_ =	sdelay $0x3  }
0x94: {  	_ =	strace s2  }
0x95: {  	s2 =	sld [smem:$0x3FFD];
	_ =	sdelay $0x3  }
0x96: {  	_ =	strace s2  }
0x97: {  	_ =	strace $0x8FFFFFFF  }
0x98: {  	s18 =	sld [smem:$0x3FDB];
	_ =	sdelay $0x1  }
0x99: {  	s19 =	simm.s32 $_scs_section_size  }
0x9a: {  	s4 =	simm.s32 $_size__tile_overlayer_lowered;
	s5 =	simm.s32 $_tile_overlayer_lowered  }
0x9b: {  	s22 =	simm.s32 $0x1BFF;
	s21 =	sshll.u32 s5, $0x1;
	s2 =	sadd.s32 s19, s18  }
0x9c: {  	s6 =	simm.s32 $0x0;
	s20 =	sshll.u32 s4, $0x1;
	s4 =	sadd.s32 s21, s2  }
0x9d: {  	[timem:s6], [sflag:s22] =	dma.local [hbm:s4], s20  }
0x9e: {  	_ =	swait.ge [sflag:s22], s20  }
0x9f: {  	s3 =	ssub.s32 $0x0, s20;
	[sflag:s22] =	ssyncset.done $0x0  }
0xa0: {  	[sflag:s22] =	ssyncadd.s32 s3;
	_ =	sdelay $0x1  }
0xa1: {  	s23 =	simm.s32 $0x1B8B  }
0xa2: {  	_ =	swait.ge [sflag:s23], $0x1  }
0xa3: {  	[sflag:s23] =	ssyncset.done $0x0  }
0xa4: {  	s25 =	simm.s32 $0x1B8E;
	s24 =	sld [smem:$0x3FFE];
	[sflag:s23] =	ssyncadd.s32 $0xFFFFFFFF  }
0xa5: {  	s26 =	simm.s32 $execute0_lowered;
	[smem:$0x3FD2] =	sst s25  }
0xa6: {  	s4 =	sshll.u32 s26, $0x1;
	_ =	strace $0x80000046;
	[dreg:$0x1] =	wrdreg $0xFFFFFFFF  }
0xa7: {  	s28 =	simm.s32 $_size_execute0_lowered;
	s2 =	sadd.s32 s2, s4;
	[dreg:$0x0] =	wrdreg $0x0  }
0xa8: {  	s4 =	sshll.u32 s28, $0x1;
	[dreg:$0x2] =	wrdreg s2  }
0xa9: {  	[dreg:$0x3] =	wrdreg s4  }
0xaa: {  	[dreg:$0x4] =	wrdreg $0xC0  }
0xab: {  	_ =	task [dreg:s6], $0x5FFFF  }
0xac: {  	[dreg:$0x1] =	wrdreg $0xFFFFFFFF  }
0xad: {  	[dreg:$0x0] =	wrdreg $0x60  }
0xae: {  	[dreg:$0x2] =	wrdreg s24  }
0xaf: {  	[dreg:$0x3] =	wrdreg $0x78000  }
0xb0: {  	[dreg:$0x4] =	wrdreg $0x9  }
0xb1: {  	_ =	task.clear_ibuf [dreg:s6], $0x5FFFF;
	_ =	strace $0x90000046  }
0xb2: {  	s29 =	simm.s32 $0x9;
	_ =	strace $0x80000048  }
0xb3: {  	_ =	swait.ge [sflag:s29], $0x1  }
0xb4: {  	[sflag:s29] =	ssyncadd.s32 $0xFFFFFFFF  }
0xb5: {  	_ =	strace $0x90000048  }
0xb6: {  	_ =	sfence  }
0xb7: {  	s30 =	sld [smem:$0x0];
	_ =	sdelay $0x2  }
0xb8: {  	s31 =	sshll.u32 s1, $0xD;
	s1 =	sshrl.u32 s1, $0x2  }
0xb9: {  	s3 =	sand.u32 $0x4000, s31;
	s1 =	sadd.s32 s1, s30  }
0xba: {  	s0 =	sor.u32 s3, s0;
	s1 =	sshll.u32 s1, $0x11  }
0xbb: {  	s0 =	sor.u32 s1, s0  }
0xbc: {  	s0 =	sadd.s32 $0x8F2B, s0  }
0xbd: {  	[sflag:s0] =	ssyncadd.remote.s32 $0x1  }
0xbe: {  	_ =	sfence.sel $0xFFFF  }
0xbf: {  	[dreg:$0x0] =	wrdreg $0xFFFFFFFF;
	(pc) =	sbr.abs _section_cstart, $3  }
0xc0: {  	[dreg:$0x1] =	wrdreg $0xFFFFFFFF  }
0xc1: {  	_ =	task.clear_ibuf [dreg:s6], $0x2FFFF;
	_ =	strace $0x9FFFFFFF  }
0xc2: {  	(tm) =	ssettm $0x7FFFFFFF  }
0xc3: {  	_ =	shalt  }
tec
execute0_lowered:
.L_overlay_start_1:
0x0: {  	(tag) =	ssettag $0x1  }
0x1: {  	s13 =	rddreg [dreg:$0x0]  }
0x2: {  	s2 =	rddreg [dreg:$0x1]  }
0x3: {  	s0 =	rddreg [dreg:$0x2]  }
0x4: {  	s1 =	stileid.u32;
	s4 =	srdreg.scid;
	s3 =	simm.s32 $0x0  }
0x5: {  	s5 =	smul.u32 $0x280, s1;
	s14 =	sand.u32 $0x1, s4;
	s28 =	sshll.u32 s1, $0x1  }
0x6: {  	[smem:$0x7FF] =	sst s3;
	s30 =	sshll.u32 s1, $0x6;
	s4 =	sor.u32 s14, s28  }
0x7: {  	_ =	strace $0x80000047;
	s15 =	sshrl.u32 s5, $0x3;
	s8 =	smul.u32 $0x500, s4  }
0x8: {  	s6 =	sadd.s32 s5, s2;
	s5 =	sor.u32 $0x1C01, s30;
	s29 =	sadd.s32 s15, s13  }
0x9: {  	s7 =	sshrl.u32 s6, $0x3;
	s6 =	simm.s32 $0x1;
	s4 =	sadd.s32 $0x16A00, s29  }
0xa: {  	[spmem:s7], [sflag:s5] =	dma.local [hbm:s4], $0x50  }
0xb: {  	_ =	swait.ge [sflag:s6], $0x50  }
0xc: {  	s9 =	sadd.s32 s8, s13;
	[sflag:s6] =	ssyncset.done $0x0  }
0xd: {  	s8 =	sadd.s32 $0xCA00, s9;
	[sflag:s6] =	ssyncadd.s32 $0xFFFFFFB0  }
0xe: {  	[tilespmem:s3], [sflag:$0x1] =	stream.linear.gather [hbm4b:s8+s3], $0x2800, $0x38;
	[tilespmem:$0x7A80] =	vst v63  }
0xf: {  	_ =	swait.ge [sflag:s6], $0x2800  }
0x10: {  	[sflag:s6] =	ssyncset.done $0x0  }
0x11: {  	s10 =	simm.s32 $0x2800;
	s9 =	sadd.s32 $0x2A00, s9;
	[sflag:s6] =	ssyncadd.s32 $0xFFFFD800  }
0x12: {  	[tilespmem:s10], [sflag:$0x1] =	stream.linear.gather [hbm4b:s9+s3], $0x2800, $0x38;
	[tilespmem:$0x7A80] =	vst v63  }
0x13: {  	_ =	swait.ge [sflag:s6], $0x2800  }
0x14: {  	[sflag:s6] =	ssyncset.done $0x0  }
0x15: {  	s12 =	simm.s32 $0x5000;
	s11 =	sadd.s32 $0x17600, s13;
	[sflag:s6] =	ssyncadd.s32 $0xFFFFD800  }
0x16: {  	[tilespmem:s12], [sflag:$0x1] =	stream.linear.gather [hbm4b:s11+s3], $0x2800, $0x38;
	[tilespmem:$0x7A80] =	vst v63  }
0x17: {  	_ =	swait.ge [sflag:s6], $0x2800  }
0x18: {  	s16 =	smul.u32 $0x500, s14;
	s14 =	ssub.s32 $0x2, s14;
	[sflag:s6] =	ssyncset.done $0x0  }
0x19: {  	s31 =	sshrl.u32 s14, $0x1;
	[sflag:s6] =	ssyncadd.s32 $0xFFFFD800  }
0x1a: {  	s14 =	ssub.s32 s14, s31;
	[bflag:$0x0] =	sbarrier.arrive $0xFFFF  }
0x1b: {  	[spmem:s2] =	stream.indirect.scatter.add.f32 [tilespmem:s12], [sflag:$0x1], $0x1, s10, s10, $0xb8;
	[tilespmem:$0x7A80] =	vst v63  }
0x1c: {  	s14 =	smax.u32 s14, $0x1;
	_ =	swait.ge [sflag:s6], $0x2800  }
0x1d: {  	s13 =	sadd.s32 s16, s13;
	p0 =	sne.s32 s14, $0x1;
	[sflag:s6] =	ssyncset.done $0x0  }
.Ltmp0:
0x1e: {  	s13 =	sadd.s32 $0x17C00, s13;
	[sflag:s6] =	ssyncadd.s32 $0xFFFFD800;
	(pc) =	sbr.rel @!p0 .LBB2_2-.Ltmp0, $4  }
0x1f: {  	s13 =	sadd.s32 s15, s13;
	[bflag:$0x0] =	sbarrier.arrive $0xFFFF  }
0x20: {  	[hbm:s13], [sflag:s5] =	dma.local [spmem:s7], $0x50  }
0x21: {  	_ =	swait.ge [sflag:s6], $0x50  }
0x22: {  	s14 =	sadd.s32 $0xFFFFFFFF, s14;
	[sflag:s6] =	ssyncset.done $0x0  }
.LBB2_1:
0x23: {  	p0 =	sne.s32 s14, $0x1;
	s14 =	sadd.s32 $0xFFFFFFFF, s14;
	[sflag:s6] =	ssyncadd.s32 $0xFFFFFFB0  }
0x24: {  	[spmem:s7], [sflag:s5] =	dma.local [hbm:s4], $0x50  }
0x25: {  	_ =	swait.ge [sflag:s6], $0x50  }
0x26: {  	[sflag:s6] =	ssyncset.done $0x0  }
0x27: {  	[sflag:s6] =	ssyncadd.s32 $0xFFFFFFB0  }
0x28: {  	[tilespmem:s3], [sflag:$0x1] =	stream.linear.gather [hbm4b:s8+s3], $0x2800, $0x38;
	[tilespmem:$0x7A80] =	vst v63  }
0x29: {  	_ =	swait.ge [sflag:s6], $0x2800  }
0x2a: {  	[sflag:s6] =	ssyncset.done $0x0  }
0x2b: {  	[sflag:s6] =	ssyncadd.s32 $0xFFFFD800  }
0x2c: {  	[tilespmem:s10], [sflag:$0x1] =	stream.linear.gather [hbm4b:s9+s3], $0x2800, $0x38;
	[tilespmem:$0x7A80] =	vst v63  }
0x2d: {  	_ =	swait.ge [sflag:s6], $0x2800  }
0x2e: {  	[sflag:s6] =	ssyncset.done $0x0  }
0x2f: {  	[sflag:s6] =	ssyncadd.s32 $0xFFFFD800  }
0x30: {  	[tilespmem:s12], [sflag:$0x1] =	stream.linear.gather [hbm4b:s11+s3], $0x2800, $0x38;
	[tilespmem:$0x7A80] =	vst v63  }
0x31: {  	_ =	swait.ge [sflag:s6], $0x2800  }
0x32: {  	[sflag:s6] =	ssyncset.done $0x0  }
0x33: {  	[sflag:s6] =	ssyncadd.s32 $0xFFFFD800  }
0x34: {  	[bflag:$0x0] =	sbarrier.arrive $0xFFFF  }
0x35: {  	[spmem:s2] =	stream.indirect.scatter.add.f32 [tilespmem:s12], [sflag:$0x1], $0x1, s10, s10, $0xb8;
	[tilespmem:$0x7A80] =	vst v63  }
0x36: {  	_ =	swait.ge [sflag:s6], $0x2800  }
0x37: {  	[sflag:s6] =	ssyncset.done $0x0  }
.Ltmp1:
0x38: {  	[sflag:s6] =	ssyncadd.s32 $0xFFFFD800;
	(pc) =	sbr.rel @p0 .LBB2_1-.Ltmp1, $4  }
0x39: {  	[bflag:$0x0] =	sbarrier.arrive $0xFFFF  }
0x3a: {  	[hbm:s13], [sflag:s5] =	dma.local [spmem:s7], $0x50  }
0x3b: {  	_ =	swait.ge [sflag:s6], $0x50  }
0x3c: {  	[sflag:s6] =	ssyncset.done $0x0  }
.LBB2_2:
0x3d: {  	[sflag:s6] =	ssyncadd.s32 $0xFFFFFFB0  }
0x3e: {  	_ =	sfence.sel $0x180000  }
0x3f: {  	[bflag:$0x0] =	sbarrier.arrive $0xFFFF  }
0x40: {  	p0 =	sne.s32 s1, $0x0;
	_ =	strace $0x90000047  }
0x41: {  	s0 =	sadd.s32 @!p0 $0x100000, s0;
	[bflag:$0x2] =	sbarrier.arrive $0xFFFF  }
0x42: {  	[sflag:s0] =	ssyncadd.tile.s32 @!p0 $0x1;
	_ =	shalt  }
.Lfunc_end2:
_tile_overlayer_lowered:
.L_overlay_start_2:
0x43: {  	(tag) =	ssettag $0x2  }
0x44: {  	s0 =	rddreg [dreg:$0x0];
	s2 =	stileid.u32  }
0x45: {  	s1 =	rddreg [dreg:$0x1];
	p0 =	sne.s32 s2, $0x0  }
0x46: {  	s3 =	rddreg [dreg:$0x2];
	[bflag:$0x3] =	sbarrier.arrive $0xFFFF;
	s2 =	simm.s32 @!p0 $0x1C01  }
0x47: {  	[timem:s3], [sflag:s2] =	dma.local @!p0 [hbm:s0], s1  }
0x48: {  	s0 =	simm.s32 @!p0 $0x1  }
0x49: {  	_ =	swait.ge @!p0 [sflag:s0], s1  }
0x4a: {  	s1 =	ssub.s32 @!p0 $0x0, s1;
	[sflag:s0] =	ssyncset.done @!p0 $0x0  }
0x4b: {  	[sflag:s0] =	ssyncadd.s32 @!p0 s1  }
0x4c: {  	[bflag:$0x3] =	sbarrier.arrive $0xFFFF  }
0x4d: {  	_ =	shalt  }

// kernel: kernel.13.cloned.1.call-start
scs
__scs_entry_jumppad:
0x0: {  	(pc) =	sbr.rel $0x88, $3  }
0x1: {  	(tag) =	ssettag $0x0;
	lr =	simm.s32 $0x1  }
0x2: {  	[smem:$0x3F95] =	sst lr;
	_ =	strace $0xD0000000  }
0x3: {  	_ = 	snop  }
0x4: {  	_ = 	snop  }
0x5: {  	_ = 	snop  }
0x6: {  	_ = 	snop  }
0x7: {  	_ = 	snop  }
__scs_overlays_trampoline_lowered:
0x8: {  	[smem:$0x3FA4] =	sst s0  }
0x9: {  	[smem:$0x3FA5] =	sst s1  }
0xa: {  	[smem:$0x3FA6] =	sst s2  }
0xb: {  	[smem:$0x3FA7] =	sst s3  }
0xc: {  	[smem:$0x3FA8] =	sst s4  }
0xd: {  	[smem:$0x3FA9] =	sst s5  }
0xe: {  	[smem:$0x3FAA] =	sst s6  }
0xf: {  	[smem:$0x3FAB] =	sst s7  }
0x10: {  	[smem:$0x3FAC] =	sst s8  }
0x11: {  	[smem:$0x3FAD] =	sst s9;
	s0 =	simm.s32 @!p0 $0x0  }
0x12: {  	s1 =	sld [smem:$0x3F93];
	s0 =	simm.s32 @p0 $0x1  }
0x13: {  	[smem:$0x3FAE] =	sst s0;
	s0 =	simm.s32 @!p1 $0x0  }
0x14: {  	s2 =	sld [smem:$0x3F92];
	s0 =	simm.s32 @p1 $0x1  }
0x15: {  	[smem:$0x3FAF] =	sst s0;
	s0 =	simm.s32 @!p2 $0x0  }
0x16: {  	s3 =	sld [smem:$0x3FDB];
	s0 =	simm.s32 @p2 $0x1  }
0x17: {  	s4 =	simm.s32 $0x1BF5;
	[smem:$0x3FB1] =	sst s0  }
0x18: {  	s0 =	sld [smem:$0x3F94];
	_ =	swait.ge [sflag:s4], $0x0  }
0x19: {  	s7 =	sld [smem:$0x3F95]  }
0x1a: {  	s8 =	sadd.s32 $0xFFFFE003, lr  }
0x1b: {  	s9 =	sadd.s32 $0xFFFFFEF7, lr;
	s5 =	simm.s32 $0xFFFFFFFF;
	p2 =	slt.u32 s8, $0xFFFFF086  }
0x1c: {  	p1 =	slt.u32 s9, $0xF7A;
	s5 =	simm.s32 @!p2 $0x0  }
0x1d: {  	s5 =	simm.s32 @p1 $0x1;
	p0 =	seq.s32 s7, s2  }
0x1e: {  	s7 =	smul.u32 @!p0 $0xF7A, s2;
	p2 =	seq.s32 @!p0 s5, $0x0  }
0x1f: {  	s9 =	smul.u32 $0xF7A, s1;
	s8 =	simm.s32 @!p0 $0x1BF5;
	p2 =	por !p2, p0  }
0x20: {  	[sflag:s8] =	ssyncset.s32 @!p0 $0xFFFFF086;
	s6 =	sadd.s32 @!p0 s3, s7;
	s7 =	simm.s32 @!p0 $0x108  }
0x21: {  	s3 =	sadd.s32 s3, s9;
	s6 =	sadd.s32 @!p0 $0x88, s6;
	s7 =	simm.s32 @p2 $0x1082  }
0x22: {  	[simem:s7], [sflag:s8] =	dma.local @!p0 [hbm:s6], $0xF7A  }
0x23: {  	s9 =	sor.u32 $0xD0000000, s2;
	s6 =	simm.s32 $0x108;
	_ =	swait.ge @!p0 [sflag:s8], $0x0  }
0x24: {  	s3 =	sadd.s32 $0x88, s3;
	s6 =	simm.s32 @!p1 $0x1082;
	[sflag:s4] =	ssyncset.s32 $0xFFFFF086  }
0x25: {  	[simem:s6], [sflag:s4] =	dma.local [hbm:s3], $0xF7A  }
0x26: {  	[smem:$0x3F95] =	sst s1;
	(tag) =	ssettag s2;
	_ =	strace s9  }
0x27: {  	s1 =	sld [smem:$0x3FA5]  }
0x28: {  	s2 =	sld [smem:$0x3FA6]  }
0x29: {  	s4 =	sld [smem:$0x3FA8]  }
0x2a: {  	p0 =	seq.s32 s5, $0x0;
	s5 =	sld [smem:$0x3FA9]  }
0x2b: {  	s6 =	sld [smem:$0x3FAA]  }
0x2c: {  	s7 =	sld [smem:$0x3FAB]  }
0x2d: {  	s3 =	simm.s32 $0x108;
	s8 =	sld [smem:$0x3FAC]  }
0x2e: {  	s3 =	simm.s32 @!p0 $0x1082;
	s9 =	sld [smem:$0x3FAD]  }
0x2f: {  	lr =	sadd.s32 s0, s3;
	s0 =	sld [smem:$0x3FA4]  }
0x30: {  	s3 =	sld [smem:$0x3FA7]  }
0x31: {  	[smem:$0x3FB0] =	sst s10  }
0x32: {  	s10 =	sld [smem:$0x3FAE];
	_ =	sdelay $0x3  }
0x33: {  	p0 =	seq.s32 s10, $0x1;
	s10 =	sld [smem:$0x3FB0];
	_ =	sdelay $0x3  }
0x34: {  	[smem:$0x3FB0] =	sst s10  }
0x35: {  	s10 =	sld [smem:$0x3FAF];
	_ =	sdelay $0x3  }
0x36: {  	p1 =	seq.s32 s10, $0x1;
	s10 =	sld [smem:$0x3FB0];
	_ =	sdelay $0x3  }
0x37: {  	[smem:$0x3FB0] =	sst s10  }
0x38: {  	s10 =	sld [smem:$0x3FB1]  }
0x39: {  	_ = 	snop;
	(pc) =	sbr.ind lr, $3  }
0x3a: {  	_ = 	snop  }
0x3b: {  	_ = 	snop  }
0x3c: {  	p2 =	seq.s32 s10, $0x1;
	s10 =	sld [smem:$0x3FB0]  }
0x3d: {  	_ =	shalt  }
0x3e: {  	_ =	shalt  }
0x3f: {  	_ =	shalt  }
0x40: {  	_ =	shalt  }
0x41: {  	_ =	shalt  }
0x42: {  	_ =	shalt  }
0x43: {  	_ =	shalt  }
0x44: {  	_ =	shalt  }
0x45: {  	_ =	shalt  }
0x46: {  	_ =	shalt  }
0x47: {  	_ =	shalt  }
0x48: {  	_ =	shalt  }
0x49: {  	_ =	shalt  }
0x4a: {  	_ =	shalt  }
0x4b: {  	_ =	shalt  }
0x4c: {  	_ =	shalt  }
0x4d: {  	_ =	shalt  }
0x4e: {  	_ =	shalt  }
0x4f: {  	_ =	shalt  }
0x50: {  	_ =	shalt  }
0x51: {  	_ =	shalt  }
0x52: {  	_ =	shalt  }
0x53: {  	_ =	shalt  }
0x54: {  	_ =	shalt  }
0x55: {  	_ =	shalt  }
0x56: {  	_ =	shalt  }
0x57: {  	_ =	shalt  }
0x58: {  	_ =	shalt  }
0x59: {  	_ =	shalt  }
0x5a: {  	_ =	shalt  }
0x5b: {  	_ =	shalt  }
0x5c: {  	_ =	shalt  }
0x5d: {  	_ =	shalt  }
0x5e: {  	_ =	shalt  }
0x5f: {  	_ =	shalt  }
0x60: {  	_ =	shalt  }
0x61: {  	_ =	shalt  }
0x62: {  	_ =	shalt  }
0x63: {  	_ =	shalt  }
0x64: {  	_ =	shalt  }
0x65: {  	_ =	shalt  }
0x66: {  	_ =	shalt  }
0x67: {  	_ =	shalt  }
0x68: {  	_ =	shalt  }
0x69: {  	_ =	shalt  }
0x6a: {  	_ =	shalt  }
0x6b: {  	_ =	shalt  }
0x6c: {  	_ =	shalt  }
0x6d: {  	_ =	shalt  }
0x6e: {  	_ =	shalt  }
0x6f: {  	_ =	shalt  }
0x70: {  	_ =	shalt  }
0x71: {  	_ =	shalt  }
0x72: {  	_ =	shalt  }
0x73: {  	_ =	shalt  }
0x74: {  	_ =	shalt  }
0x75: {  	_ =	shalt  }
0x76: {  	_ =	shalt  }
0x77: {  	_ =	shalt  }
0x78: {  	_ =	shalt  }
0x79: {  	_ =	shalt  }
0x7a: {  	_ =	shalt  }
0x7b: {  	_ =	shalt  }
0x7c: {  	_ =	shalt  }
0x7d: {  	_ =	shalt  }
0x7e: {  	_ =	shalt  }
0x7f: {  	_ =	shalt  }
0x80: {  	_ =	shalt  }
0x81: {  	_ =	shalt  }
0x82: {  	_ =	shalt  }
0x83: {  	_ =	shalt  }
0x84: {  	_ =	shalt  }
0x85: {  	_ =	shalt  }
0x86: {  	_ =	shalt  }
0x87: {  	_ =	shalt  }
.Lfunc_end0:
.L_simem_size_0:
called_computation.1_lowered:
.L_overlay_start_0:
0x88: {  	s2 =	sld [smem:$0x3FD9]  }
0x89: {  	s3 =	sld [smem:$0x3FFE];
	_ =	sdelay $0x1  }
0x8a: {  	s1 =	srdreg.scid  }
0x8b: {  	s0 =	sand.u32 $0x1, s1  }
0x8c: {  	s16 =	sshll.u32 s0, $0xA;
	s2 =	sadd.s32 s3, s2  }
0x8d: {  	s2 =	sadd.s32 s2, s16  }
0x8e: {  	[smem:$0x3FBC] =	sst s2  }
0x8f: {  	_ = 	snop  }
0x90: {  	(tm) =	ssettm $0x1  }
0x91: {  	s17 =	sld [smem:$0x3FFB];
	_ =	sdelay $0x3  }
0x92: {  	_ =	strace s17  }
0x93: {  	s2 =	sld [smem:$0x3FFC];
	_ =	sdelay $0x3  }
0x94: {  	_ =	strace s2  }
0x95: {  	s2 =	sld [smem:$0x3FFD];
	_ =	sdelay $0x3  }
0x96: {  	_ =	strace s2  }
0x97: {  	_ =	strace $0x8FFFFFFF  }
0x98: {  	s18 =	sld [smem:$0x3FDB];
	_ =	sdelay $0x1  }
0x99: {  	s19 =	simm.s32 $_scs_section_size  }
0x9a: {  	s4 =	simm.s32 $_size__tile_overlayer_lowered;
	s5 =	simm.s32 $_tile_overlayer_lowered  }
0x9b: {  	s22 =	simm.s32 $0x1BFF;
	s21 =	sshll.u32 s5, $0x1;
	s2 =	sadd.s32 s19, s18  }
0x9c: {  	s6 =	simm.s32 $0x0;
	s20 =	sshll.u32 s4, $0x1;
	s4 =	sadd.s32 s21, s2  }
0x9d: {  	[timem:s6], [sflag:s22] =	dma.local [hbm:s4], s20  }
0x9e: {  	_ =	swait.ge [sflag:s22], s20  }
0x9f: {  	s3 =	ssub.s32 $0x0, s20;
	[sflag:s22] =	ssyncset.done $0x0  }
0xa0: {  	[sflag:s22] =	ssyncadd.s32 s3;
	_ =	sdelay $0x1  }
0xa1: {  	s23 =	simm.s32 $0x1B8B  }
0xa2: {  	_ =	swait.ge [sflag:s23], $0x1  }
0xa3: {  	[sflag:s23] =	ssyncset.done $0x0  }
0xa4: {  	s25 =	simm.s32 $0x1B8E;
	s24 =	sld [smem:$0x3FFE];
	[sflag:s23] =	ssyncadd.s32 $0xFFFFFFFF  }
0xa5: {  	s26 =	simm.s32 $execute0_lowered;
	[smem:$0x3FD2] =	sst s25  }
0xa6: {  	s4 =	sshll.u32 s26, $0x1;
	_ =	strace $0x80000049;
	[dreg:$0x1] =	wrdreg $0xFFFFFFFF  }
0xa7: {  	s28 =	simm.s32 $_size_execute0_lowered;
	s2 =	sadd.s32 s2, s4;
	[dreg:$0x0] =	wrdreg $0x0  }
0xa8: {  	s4 =	sshll.u32 s28, $0x1;
	[dreg:$0x2] =	wrdreg s2  }
0xa9: {  	[dreg:$0x3] =	wrdreg s4  }
0xaa: {  	[dreg:$0x4] =	wrdreg $0xC0  }
0xab: {  	_ =	task [dreg:s6], $0x5FFFF  }
0xac: {  	[dreg:$0x1] =	wrdreg $0xFFFFFFFF  }
0xad: {  	[dreg:$0x0] =	wrdreg $0x60  }
0xae: {  	[dreg:$0x2] =	wrdreg s24  }
0xaf: {  	[dreg:$0x3] =	wrdreg $0x90000  }
0xb0: {  	[dreg:$0x4] =	wrdreg $0x130000  }
0xb1: {  	[dreg:$0x5] =	wrdreg $0x9  }
0xb2: {  	_ =	task.clear_ibuf [dreg:s6], $0x6FFFF;
	_ =	strace $0x90000049  }
0xb3: {  	s29 =	simm.s32 $0x9;
	_ =	strace $0x8000004B  }
0xb4: {  	_ =	swait.ge [sflag:s29], $0x1  }
0xb5: {  	[sflag:s29] =	ssyncadd.s32 $0xFFFFFFFF  }
0xb6: {  	_ =	strace $0x9000004B  }
0xb7: {  	_ =	sfence  }
0xb8: {  	s30 =	sld [smem:$0x0];
	_ =	sdelay $0x2  }
0xb9: {  	s31 =	sshll.u32 s1, $0xD;
	s1 =	sshrl.u32 s1, $0x2  }
0xba: {  	s3 =	sand.u32 $0x4000, s31;
	s1 =	sadd.s32 s1, s30  }
0xbb: {  	s0 =	sor.u32 s3, s0;
	s1 =	sshll.u32 s1, $0x11  }
0xbc: {  	s0 =	sor.u32 s1, s0  }
0xbd: {  	s0 =	sadd.s32 $0x8F2B, s0  }
0xbe: {  	[sflag:s0] =	ssyncadd.remote.s32 $0x1  }
0xbf: {  	_ =	sfence.sel $0xFFFF  }
0xc0: {  	[dreg:$0x0] =	wrdreg $0xFFFFFFFF;
	(pc) =	sbr.abs _section_cstart, $3  }
0xc1: {  	[dreg:$0x1] =	wrdreg $0xFFFFFFFF  }
0xc2: {  	_ =	task.clear_ibuf [dreg:s6], $0x2FFFF;
	_ =	strace $0x9FFFFFFF  }
0xc3: {  	(tm) =	ssettm $0x7FFFFFFF  }
tec
execute0_lowered:
.L_overlay_start_1:
0x0: {  	(tag) =	ssettag $0x1  }
0x1: {  	s5 =	rddreg [dreg:$0x0]  }
0x2: {  	s0 =	stileid.u32;
	s2 =	rddreg [dreg:$0x1]  }
0x3: {  	s1 =	srdreg.scid;
	s3 =	rddreg [dreg:$0x2];
	s4 =	simm.s32 $0x0  }
0x4: {  	s16 =	simm.s32 $0x5000;
	s17 =	simm.s32 $0x7000;
	s18 =	simm.s32 $0x1  }
0x5: {  	s19 =	simm.s32 $0x2;
	s20 =	simm.s32 $0x4F00;
	s21 =	simm.s32 $0x4F80  }
0x6: {  	s6 =	sand.u32 $0x1, s1;
	s29 =	sshll.u32 s0, $0x1;
	s1 =	rddreg [dreg:$0x3]  }
0x7: {  	s7 =	smul.u32 $0xA000, s0;
	[smem:$0x7FF] =	sst s4;
	s31 =	sshll.u32 s0, $0x6  }
0x8: {  	s8 =	sor.u32 s6, s29;
	s9 =	smul.u32 $0x14000, s6;
	_ =	strace $0x8000004A  }
0x9: {  	s6 =	ssub.s32 $0x2, s6;
	s8 =	smul.u32 $0x500, s8;
	s22 =	sshrl.u32 s7, $0x3  }
0xa: {  	s30 =	sshrl.u32 s6, $0x1;
	s14 =	sadd.s32 s7, s2;
	s15 =	sadd.s32 s7, s3  }
0xb: {  	s10 =	sadd.s32 s22, s5;
	s12 =	sadd.s32 s9, s5;
	s13 =	ssub.s32 s6, s30  }
0xc: {  	s6 =	sor.u32 $0x1C03, s31;
	s11 =	sadd.s32 s8, s5;
	s5 =	sadd.s32 $0x2C800, s10  }
0xd: {  	s7 =	sadd.s32 $0x18800, s10;
	s23 =	sadd.s32 $0x40800, s12;
	s10 =	smax.u32 s13, $0x1  }
0xe: {  	s12 =	simm.s32 $0x3;
	s13 =	sshrl.u32 s15, $0x3;
	s15 =	simm.s32 $0x80  }
0xf: {  	s8 =	sadd.s32 $0xCA00, s11;
	s9 =	sadd.s32 $0x2A00, s11;
	s11 =	sshrl.u32 s14, $0x3  }
0x10: {  	s14 =	simm.s32 $0x2800;
	s22 =	sadd.s32 s22, s23;
	s23 =	simm.s32 $0x0  }
.LBB2_1:
0x11: {  	[spmem:s11], [sflag:s6] =	dma.local [hbm:s5], $0x1400  }
0x12: {  	_ =	swait.ge [sflag:s12], $0x1400  }
0x13: {  	[sflag:s12] =	ssyncset.done $0x0  }
0x14: {  	[sflag:s12] =	ssyncadd.s32 $0xFFFFEC00  }
0x15: {  	[spmem:s13], [sflag:s6] =	dma.local [hbm:s7], $0x1400  }
0x16: {  	_ =	swait.ge [sflag:s12], $0x1400  }
0x17: {  	[sflag:s12] =	ssyncset.done $0x0  }
0x18: {  	[sflag:s12] =	ssyncadd.s32 $0xFFFFEC00  }
0x19: {  	[tilespmem:s4], [sflag:$0x3] =	stream.linear.gather [hbm4b:s8+s4], $0x2800, $0x38;
	[tilespmem:$0x1D000] =	vst v63  }
0x1a: {  	_ =	swait.ge [sflag:s12], $0x2800  }
0x1b: {  	[sflag:s12] =	ssyncset.done $0x0  }
0x1c: {  	[sflag:s12] =	ssyncadd.s32 $0xFFFFD800  }
0x1d: {  	[tilespmem:s14], [sflag:$0x3] =	stream.linear.gather [hbm4b:s9+s4], $0x2800, $0x38;
	[tilespmem:$0x1D000] =	vst v63  }
0x1e: {  	_ =	swait.ge [sflag:s12], $0x2800  }
0x1f: {  	[sflag:s12] =	ssyncset.done $0x0  }
0x20: {  	[sflag:s12] =	ssyncadd.s32 $0xFFFFD800  }
0x21: {  	[bflag:$0x0] =	sbarrier.arrive $0xFFFF  }
0x22: {  	[tilespmem:s16], [sflag:$0x1] =	stream.indirect.gather [spmem:s3], $0x40, s4, s15, $0xb8;
	[tilespmem:$0x1D000] =	vst v63  }
0x23: {  	_ = 	snop  }
0x24: {  	[tilespmem:s17], [sflag:$0x2] =	stream.indirect.gather [spmem:s3], $0x40, s15, s15, $0xb8;
	[tilespmem:$0x1D000] =	vst v63  }
0x25: {  	_ =	swait.ge [sflag:s18], $0x2000  }
0x26: {  	[sflag:s18] =	ssyncset.done $0x0  }
0x27: {  	s24 =	simm.s32 $0x2800;
	[sflag:s18] =	ssyncadd.s32 $0xFFFFE000  }
0x28: {  	[spmem:s2] =	stream.indirect.scatter.add.f32 [tilespmem:s16], [sflag:$0x3], $0x40, s24, s15, $0xb8;
	[tilespmem:$0x1D000] =	vst v63  }
0x29: {  	_ =	swait.ge [sflag:s12], $0x2000  }
0x2a: {  	[sflag:s12] =	ssyncset.done $0x0  }
0x2b: {  	s30 =	simm.s32 $0x100;
	[sflag:s12] =	ssyncadd.s32 $0xFFFFE000  }
0x2c: {  	[tilespmem:s16], [sflag:$0x1] =	stream.indirect.gather [spmem:s3], $0x40, s30, s15, $0xb8;
	[tilespmem:$0x1D000] =	vst v63  }
0x2d: {  	_ =	swait.ge [sflag:s19], $0x2000  }
0x2e: {  	[sflag:s19] =	ssyncset.done $0x0  }
0x2f: {  	s31 =	simm.s32 $0x2880;
	[sflag:s19] =	ssyncadd.s32 $0xFFFFE000  }
0x30: {  	[spmem:s2] =	stream.indirect.scatter.add.f32 [tilespmem:s17], [sflag:$0x3], $0x40, s31, s15, $0xb8;
	[tilespmem:$0x1D000] =	vst v63  }
0x31: {  	_ =	swait.ge [sflag:s12], $0x2000  }
0x32: {  	[sflag:s12] =	ssyncset.done $0x0  }
0x33: {  	s25 =	simm.s32 $0x180;
	s24 =	simm.s32 $0x400;
	[sflag:s12] =	ssyncadd.s32 $0xFFFFE000  }
.LBB2_2:
0x34: {  	[tilespmem:s17], [sflag:$0x2] =	stream.indirect.gather [spmem:s3], $0x40, s25, s15, $0xb8;
	[tilespmem:$0x1D000] =	vst v63  }
0x35: {  	s25 =	smov.u32 s24  }
0x36: {  	p0 =	sne.s32 s24, $0x9800;
	s24 =	sadd.s32 $0x400, s24;
	_ =	swait.ge [sflag:s18], $0x2000  }
0x37: {  	s25 =	sshra.s32 s25, $0x2;
	[sflag:s18] =	ssyncset.done $0x0  }
0x38: {  	s26 =	sadd.s32 $0x2800, s25;
	[sflag:s18] =	ssyncadd.s32 $0xFFFFE000  }
0x39: {  	[spmem:s2] =	stream.indirect.scatter.add.f32 [tilespmem:s16], [sflag:$0x3], $0x40, s26, s15, $0xb8;
	[tilespmem:$0x1D000] =	vst v63  }
0x3a: {  	_ =	swait.ge [sflag:s12], $0x2000  }
0x3b: {  	[sflag:s12] =	ssyncset.done $0x0  }
0x3c: {  	s26 =	sadd.s32 $0x100, s25;
	[sflag:s12] =	ssyncadd.s32 $0xFFFFE000  }
0x3d: {  	[tilespmem:s16], [sflag:$0x1] =	stream.indirect.gather [spmem:s3], $0x40, s26, s15, $0xb8;
	[tilespmem:$0x1D000] =	vst v63  }
0x3e: {  	_ =	swait.ge [sflag:s19], $0x2000  }
0x3f: {  	[sflag:s19] =	ssyncset.done $0x0  }
.Ltmp0:
0x40: {  	s26 =	sadd.s32 $0x2880, s25;
	[sflag:s19] =	ssyncadd.s32 $0xFFFFE000;
	(pc) =	sbr.rel @p0 .LBB2_2-.Ltmp0, $4  }
0x41: {  	[spmem:s2] =	stream.indirect.scatter.add.f32 [tilespmem:s17], [sflag:$0x3], $0x40, s26, s15, $0xb8;
	[tilespmem:$0x1D000] =	vst v63  }
0x42: {  	_ =	swait.ge [sflag:s12], $0x2000  }
0x43: {  	[sflag:s12] =	ssyncset.done $0x0  }
0x44: {  	s25 =	sadd.s32 $0x180, s25;
	[sflag:s12] =	ssyncadd.s32 $0xFFFFE000  }
0x45: {  	[tilespmem:s17], [sflag:$0x2] =	stream.indirect.gather [spmem:s3], $0x40, s25, s15, $0xb8;
	[tilespmem:$0x1D000] =	vst v63  }
0x46: {  	_ =	swait.ge [sflag:s18], $0x2000  }
0x47: {  	[sflag:s18] =	ssyncset.done $0x0  }
0x48: {  	[sflag:s18] =	ssyncadd.s32 $0xFFFFE000  }
0x49: {  	[spmem:s2] =	stream.indirect.scatter.add.f32 [tilespmem:s16], [sflag:$0x3], $0x40, s20, s15, $0xb8;
	[tilespmem:$0x1D000] =	vst v63  }
0x4a: {  	_ =	swait.ge [sflag:s12], $0x2000  }
0x4b: {  	[sflag:s12] =	ssyncset.done $0x0  }
0x4c: {  	[sflag:s12] =	ssyncadd.s32 $0xFFFFE000  }
0x4d: {  	_ =	swait.ge [sflag:s19], $0x2000  }
0x4e: {  	[sflag:s19] =	ssyncset.done $0x0  }
0x4f: {  	[sflag:s19] =	ssyncadd.s32 $0xFFFFE000  }
0x50: {  	[spmem:s2] =	stream.indirect.scatter.add.f32 [tilespmem:s17], [sflag:$0x3], $0x40, s21, s15, $0xb8;
	[tilespmem:$0x1D000] =	vst v63  }
0x51: {  	_ =	swait.ge [sflag:s12], $0x2000  }
0x52: {  	s23 =	sadd.s32 $0x1, s23;
	[sflag:s12] =	ssyncset.done $0x0  }
0x53: {  	p0 =	sne.s32 s23, s10;
	[sflag:s12] =	ssyncadd.s32 $0xFFFFE000  }
.Ltmp1:
0x54: {  	[bflag:$0x0] =	sbarrier.arrive $0xFFFF;
	(pc) =	sbr.rel @p0 .LBB2_1-.Ltmp1, $4  }
0x55: {  	[hbm:s22], [sflag:s6] =	dma.local [spmem:s11], $0x1400  }
0x56: {  	_ =	swait.ge [sflag:s12], $0x1400  }
0x57: {  	[sflag:s12] =	ssyncset.done $0x0  }
0x58: {  	[sflag:s12] =	ssyncadd.s32 $0xFFFFEC00  }
0x59: {  	_ =	sfence.sel $0x180000  }
0x5a: {  	[bflag:$0x0] =	sbarrier.arrive $0xFFFF  }
0x5b: {  	p0 =	sne.s32 s0, $0x0;
	_ =	strace $0x9000004A  }
0x5c: {  	s0 =	sadd.s32 @!p0 $0x100000, s1;
	[bflag:$0x2] =	sbarrier.arrive $0xFFFF  }
0x5d: {  	[sflag:s0] =	ssyncadd.tile.s32 @!p0 $0x1;
	_ =	shalt  }
.Lfunc_end2:
_tile_overlayer_lowered:
.L_overlay_start_2:
0x5e: {  	(tag) =	ssettag $0x2  }
0x5f: {  	s0 =	rddreg [dreg:$0x0];
	s2 =	stileid.u32  }
0x60: {  	s1 =	rddreg [dreg:$0x1];
	p0 =	sne.s32 s2, $0x0  }
0x61: {  	s3 =	rddreg [dreg:$0x2];
	[bflag:$0x3] =	sbarrier.arrive $0xFFFF;
	s2 =	simm.s32 @!p0 $0x1C03  }
0x62: {  	[timem:s3], [sflag:s2] =	dma.local @!p0 [hbm:s0], s1  }
0x63: {  	s0 =	simm.s32 @!p0 $0x3  }
0x64: {  	_ =	swait.ge @!p0 [sflag:s0], s1  }
0x65: {  	s1 =	ssub.s32 @!p0 $0x0, s1;
	[sflag:s0] =	ssyncset.done @!p0 $0x0  }
0x66: {  	[sflag:s0] =	ssyncadd.s32 @!p0 s1  }
0x67: {  	[bflag:$0x3] =	sbarrier.arrive $0xFFFF  }
0x68: {  	_ =	shalt  }

// kernel: kernel.16.cloned.1.call-start
scs
__scs_entry_jumppad:
0x0: {  	(pc) =	sbr.rel $0x88, $3  }
0x1: {  	(tag) =	ssettag $0x0;
	lr =	simm.s32 $0x1  }
0x2: {  	[smem:$0x3F95] =	sst lr;
	_ =	strace $0xD0000000  }
0x3: {  	_ = 	snop  }
0x4: {  	_ = 	snop  }
0x5: {  	_ = 	snop  }
0x6: {  	_ = 	snop  }
0x7: {  	_ = 	snop  }
__scs_overlays_trampoline_lowered:
0x8: {  	[smem:$0x3FA4] =	sst s0  }
0x9: {  	[smem:$0x3FA5] =	sst s1  }
0xa: {  	[smem:$0x3FA6] =	sst s2  }
0xb: {  	[smem:$0x3FA7] =	sst s3  }
0xc: {  	[smem:$0x3FA8] =	sst s4  }
0xd: {  	[smem:$0x3FA9] =	sst s5  }
0xe: {  	[smem:$0x3FAA] =	sst s6  }
0xf: {  	[smem:$0x3FAB] =	sst s7  }
0x10: {  	[smem:$0x3FAC] =	sst s8  }
0x11: {  	[smem:$0x3FAD] =	sst s9;
	s0 =	simm.s32 @!p0 $0x0  }
0x12: {  	s1 =	sld [smem:$0x3F93];
	s0 =	simm.s32 @p0 $0x1  }
0x13: {  	[smem:$0x3FAE] =	sst s0;
	s0 =	simm.s32 @!p1 $0x0  }
0x14: {  	s2 =	sld [smem:$0x3F92];
	s0 =	simm.s32 @p1 $0x1  }
0x15: {  	[smem:$0x3FAF] =	sst s0;
	s0 =	simm.s32 @!p2 $0x0  }
0x16: {  	s3 =	sld [smem:$0x3FDB];
	s0 =	simm.s32 @p2 $0x1  }
0x17: {  	s4 =	simm.s32 $0x1BF5;
	[smem:$0x3FB1] =	sst s0  }
0x18: {  	s0 =	sld [smem:$0x3F94];
	_ =	swait.ge [sflag:s4], $0x0  }
0x19: {  	s7 =	sld [smem:$0x3F95]  }
0x1a: {  	s8 =	sadd.s32 $0xFFFFE003, lr  }
0x1b: {  	s9 =	sadd.s32 $0xFFFFFEF7, lr;
	s5 =	simm.s32 $0xFFFFFFFF;
	p2 =	slt.u32 s8, $0xFFFFF086  }
0x1c: {  	p1 =	slt.u32 s9, $0xF7A;
	s5 =	simm.s32 @!p2 $0x0  }
0x1d: {  	s5 =	simm.s32 @p1 $0x1;
	p0 =	seq.s32 s7, s2  }
0x1e: {  	s7 =	smul.u32 @!p0 $0xF7A, s2;
	p2 =	seq.s32 @!p0 s5, $0x0  }
0x1f: {  	s9 =	smul.u32 $0xF7A, s1;
	s8 =	simm.s32 @!p0 $0x1BF5;
	p2 =	por !p2, p0  }
0x20: {  	[sflag:s8] =	ssyncset.s32 @!p0 $0xFFFFF086;
	s6 =	sadd.s32 @!p0 s3, s7;
	s7 =	simm.s32 @!p0 $0x108  }
0x21: {  	s3 =	sadd.s32 s3, s9;
	s6 =	sadd.s32 @!p0 $0x88, s6;
	s7 =	simm.s32 @p2 $0x1082  }
0x22: {  	[simem:s7], [sflag:s8] =	dma.local @!p0 [hbm:s6], $0xF7A  }
0x23: {  	s9 =	sor.u32 $0xD0000000, s2;
	s6 =	simm.s32 $0x108;
	_ =	swait.ge @!p0 [sflag:s8], $0x0  }
0x24: {  	s3 =	sadd.s32 $0x88, s3;
	s6 =	simm.s32 @!p1 $0x1082;
	[sflag:s4] =	ssyncset.s32 $0xFFFFF086  }
0x25: {  	[simem:s6], [sflag:s4] =	dma.local [hbm:s3], $0xF7A  }
0x26: {  	[smem:$0x3F95] =	sst s1;
	(tag) =	ssettag s2;
	_ =	strace s9  }
0x27: {  	s1 =	sld [smem:$0x3FA5]  }
0x28: {  	s2 =	sld [smem:$0x3FA6]  }
0x29: {  	s4 =	sld [smem:$0x3FA8]  }
0x2a: {  	p0 =	seq.s32 s5, $0x0;
	s5 =	sld [smem:$0x3FA9]  }
0x2b: {  	s6 =	sld [smem:$0x3FAA]  }
0x2c: {  	s7 =	sld [smem:$0x3FAB]  }
0x2d: {  	s3 =	simm.s32 $0x108;
	s8 =	sld [smem:$0x3FAC]  }
0x2e: {  	s3 =	simm.s32 @!p0 $0x1082;
	s9 =	sld [smem:$0x3FAD]  }
0x2f: {  	lr =	sadd.s32 s0, s3;
	s0 =	sld [smem:$0x3FA4]  }
0x30: {  	s3 =	sld [smem:$0x3FA7]  }
0x31: {  	[smem:$0x3FB0] =	sst s10  }
0x32: {  	s10 =	sld [smem:$0x3FAE];
	_ =	sdelay $0x3  }
0x33: {  	p0 =	seq.s32 s10, $0x1;
	s10 =	sld [smem:$0x3FB0];
	_ =	sdelay $0x3  }
0x34: {  	[smem:$0x3FB0] =	sst s10  }
0x35: {  	s10 =	sld [smem:$0x3FAF];
	_ =	sdelay $0x3  }
0x36: {  	p1 =	seq.s32 s10, $0x1;
	s10 =	sld [smem:$0x3FB0];
	_ =	sdelay $0x3  }
0x37: {  	[smem:$0x3FB0] =	sst s10  }
0x38: {  	s10 =	sld [smem:$0x3FB1]  }
0x39: {  	_ = 	snop;
	(pc) =	sbr.ind lr, $3  }
0x3a: {  	_ = 	snop  }
0x3b: {  	_ = 	snop  }
0x3c: {  	p2 =	seq.s32 s10, $0x1;
	s10 =	sld [smem:$0x3FB0]  }
0x3d: {  	_ =	shalt  }
0x3e: {  	_ =	shalt  }
0x3f: {  	_ =	shalt  }
0x40: {  	_ =	shalt  }
0x41: {  	_ =	shalt  }
0x42: {  	_ =	shalt  }
0x43: {  	_ =	shalt  }
0x44: {  	_ =	shalt  }
0x45: {  	_ =	shalt  }
0x46: {  	_ =	shalt  }
0x47: {  	_ =	shalt  }
0x48: {  	_ =	shalt  }
0x49: {  	_ =	shalt  }
0x4a: {  	_ =	shalt  }
0x4b: {  	_ =	shalt  }
0x4c: {  	_ =	shalt  }
0x4d: {  	_ =	shalt  }
0x4e: {  	_ =	shalt  }
0x4f: {  	_ =	shalt  }
0x50: {  	_ =	shalt  }
0x51: {  	_ =	shalt  }
0x52: {  	_ =	shalt  }
0x53: {  	_ =	shalt  }
0x54: {  	_ =	shalt  }
0x55: {  	_ =	shalt  }
0x56: {  	_ =	shalt  }
0x57: {  	_ =	shalt  }
0x58: {  	_ =	shalt  }
0x59: {  	_ =	shalt  }
0x5a: {  	_ =	shalt  }
0x5b: {  	_ =	shalt  }
0x5c: {  	_ =	shalt  }
0x5d: {  	_ =	shalt  }
0x5e: {  	_ =	shalt  }
0x5f: {  	_ =	shalt  }
0x60: {  	_ =	shalt  }
0x61: {  	_ =	shalt  }
0x62: {  	_ =	shalt  }
0x63: {  	_ =	shalt  }
0x64: {  	_ =	shalt  }
0x65: {  	_ =	shalt  }
0x66: {  	_ =	shalt  }
0x67: {  	_ =	shalt  }
0x68: {  	_ =	shalt  }
0x69: {  	_ =	shalt  }
0x6a: {  	_ =	shalt  }
0x6b: {  	_ =	shalt  }
0x6c: {  	_ =	shalt  }
0x6d: {  	_ =	shalt  }
0x6e: {  	_ =	shalt  }
0x6f: {  	_ =	shalt  }
0x70: {  	_ =	shalt  }
0x71: {  	_ =	shalt  }
0x72: {  	_ =	shalt  }
0x73: {  	_ =	shalt  }
0x74: {  	_ =	shalt  }
0x75: {  	_ =	shalt  }
0x76: {  	_ =	shalt  }
0x77: {  	_ =	shalt  }
0x78: {  	_ =	shalt  }
0x79: {  	_ =	shalt  }
0x7a: {  	_ =	shalt  }
0x7b: {  	_ =	shalt  }
0x7c: {  	_ =	shalt  }
0x7d: {  	_ =	shalt  }
0x7e: {  	_ =	shalt  }
0x7f: {  	_ =	shalt  }
0x80: {  	_ =	shalt  }
0x81: {  	_ =	shalt  }
0x82: {  	_ =	shalt  }
0x83: {  	_ =	shalt  }
0x84: {  	_ =	shalt  }
0x85: {  	_ =	shalt  }
0x86: {  	_ =	shalt  }
0x87: {  	_ =	shalt  }
.Lfunc_end0:
.L_simem_size_0:
called_computation.2_lowered:
.L_overlay_start_0:
0x88: {  	s2 =	sld [smem:$0x3FD9]  }
0x89: {  	s3 =	sld [smem:$0x3FFE];
	_ =	sdelay $0x1  }
0x8a: {  	s1 =	srdreg.scid  }
0x8b: {  	s0 =	sand.u32 $0x1, s1  }
0x8c: {  	s16 =	sshll.u32 s0, $0xA;
	s2 =	sadd.s32 s3, s2  }
0x8d: {  	s2 =	sadd.s32 s2, s16  }
0x8e: {  	[smem:$0x3FBC] =	sst s2  }
0x8f: {  	_ = 	snop  }
0x90: {  	(tm) =	ssettm $0x1  }
0x91: {  	s17 =	sld [smem:$0x3FFB];
	_ =	sdelay $0x3  }
0x92: {  	_ =	strace s17  }
0x93: {  	s2 =	sld [smem:$0x3FFC];
	_ =	sdelay $0x3  }
0x94: {  	_ =	strace s2  }
0x95: {  	s2 =	sld [smem:$0x3FFD];
	_ =	sdelay $0x3  }
0x96: {  	_ =	strace s2  }
0x97: {  	_ =	strace $0x8FFFFFFF  }
0x98: {  	s18 =	sld [smem:$0x3FDB];
	_ =	sdelay $0x1  }
0x99: {  	s19 =	simm.s32 $_scs_section_size  }
0x9a: {  	s4 =	simm.s32 $_size__tile_overlayer_lowered;
	s5 =	simm.s32 $_tile_overlayer_lowered  }
0x9b: {  	s22 =	simm.s32 $0x1BFF;
	s21 =	sshll.u32 s5, $0x1;
	s2 =	sadd.s32 s19, s18  }
0x9c: {  	s6 =	simm.s32 $0x0;
	s20 =	sshll.u32 s4, $0x1;
	s4 =	sadd.s32 s21, s2  }
0x9d: {  	[timem:s6], [sflag:s22] =	dma.local [hbm:s4], s20  }
0x9e: {  	_ =	swait.ge [sflag:s22], s20  }
0x9f: {  	s3 =	ssub.s32 $0x0, s20;
	[sflag:s22] =	ssyncset.done $0x0  }
0xa0: {  	[sflag:s22] =	ssyncadd.s32 s3;
	_ =	sdelay $0x1  }
0xa1: {  	s23 =	simm.s32 $0x1B8B  }
0xa2: {  	_ =	swait.ge [sflag:s23], $0x1  }
0xa3: {  	[sflag:s23] =	ssyncset.done $0x0  }
0xa4: {  	s25 =	simm.s32 $0x1B8E;
	s24 =	sld [smem:$0x3FFE];
	[sflag:s23] =	ssyncadd.s32 $0xFFFFFFFF  }
0xa5: {  	s26 =	simm.s32 $execute0_lowered;
	[smem:$0x3FD2] =	sst s25  }
0xa6: {  	s4 =	sshll.u32 s26, $0x1;
	_ =	strace $0x8000004C;
	[dreg:$0x1] =	wrdreg $0xFFFFFFFF  }
0xa7: {  	s28 =	simm.s32 $_size_execute0_lowered;
	s2 =	sadd.s32 s2, s4;
	[dreg:$0x0] =	wrdreg $0x0  }
0xa8: {  	s4 =	sshll.u32 s28, $0x1;
	[dreg:$0x2] =	wrdreg s2  }
0xa9: {  	[dreg:$0x3] =	wrdreg s4  }
0xaa: {  	[dreg:$0x4] =	wrdreg $0xC0  }
0xab: {  	_ =	task [dreg:s6], $0x5FFFF  }
0xac: {  	[dreg:$0x1] =	wrdreg $0xFFFFFFFF  }
0xad: {  	[dreg:$0x0] =	wrdreg $0x60  }
0xae: {  	[dreg:$0x2] =	wrdreg s24  }
0xaf: {  	[dreg:$0x3] =	wrdreg $0x90000  }
0xb0: {  	[dreg:$0x4] =	wrdreg $0x130000  }
0xb1: {  	[dreg:$0x5] =	wrdreg $0x9  }
0xb2: {  	_ =	task.clear_ibuf [dreg:s6], $0x6FFFF;
	_ =	strace $0x9000004C  }
0xb3: {  	s29 =	simm.s32 $0x9;
	_ =	strace $0x8000004E  }
0xb4: {  	_ =	swait.ge [sflag:s29], $0x1  }
0xb5: {  	[sflag:s29] =	ssyncadd.s32 $0xFFFFFFFF  }
0xb6: {  	_ =	strace $0x9000004E  }
0xb7: {  	_ =	sfence  }
0xb8: {  	s30 =	sld [smem:$0x0];
	_ =	sdelay $0x2  }
0xb9: {  	s31 =	sshll.u32 s1, $0xD;
	s1 =	sshrl.u32 s1, $0x2  }
0xba: {  	s3 =	sand.u32 $0x4000, s31;
	s1 =	sadd.s32 s1, s30  }
0xbb: {  	s0 =	sor.u32 s3, s0;
	s1 =	sshll.u32 s1, $0x11  }
0xbc: {  	s0 =	sor.u32 s1, s0  }
0xbd: {  	s0 =	sadd.s32 $0x8F2B, s0  }
0xbe: {  	[sflag:s0] =	ssyncadd.remote.s32 $0x1  }
0xbf: {  	_ =	sfence.sel $0xFFFF  }
0xc0: {  	[dreg:$0x0] =	wrdreg $0xFFFFFFFF;
	(pc) =	sbr.abs _section_cstart, $3  }
0xc1: {  	[dreg:$0x1] =	wrdreg $0xFFFFFFFF  }
0xc2: {  	_ =	task.clear_ibuf [dreg:s6], $0x2FFFF;
	_ =	strace $0x9FFFFFFF  }
0xc3: {  	(tm) =	ssettm $0x7FFFFFFF  }
tec
execute0_lowered:
.L_overlay_start_1:
0x0: {  	(tag) =	ssettag $0x1  }
0x1: {  	s5 =	rddreg [dreg:$0x0]  }
0x2: {  	s0 =	stileid.u32;
	s2 =	rddreg [dreg:$0x1]  }
0x3: {  	s1 =	srdreg.scid;
	s3 =	rddreg [dreg:$0x2];
	s4 =	simm.s32 $0x0  }
0x4: {  	s16 =	simm.s32 $0x5000;
	s17 =	simm.s32 $0x7000;
	s18 =	simm.s32 $0x1  }
0x5: {  	s19 =	simm.s32 $0x2;
	s20 =	simm.s32 $0x4F00;
	s21 =	simm.s32 $0x4F80  }
0x6: {  	s6 =	sand.u32 $0x1, s1;
	s29 =	sshll.u32 s0, $0x1;
	s1 =	rddreg [dreg:$0x3]  }
0x7: {  	s7 =	smul.u32 $0xA000, s0;
	[smem:$0x7FF] =	sst s4;
	s31 =	sshll.u32 s0, $0x6  }
0x8: {  	s8 =	sor.u32 s6, s29;
	s9 =	smul.u32 $0x14000, s6;
	_ =	strace $0x8000004D  }
0x9: {  	s6 =	ssub.s32 $0x2, s6;
	s8 =	smul.u32 $0x500, s8;
	s22 =	sshrl.u32 s7, $0x3  }
0xa: {  	s30 =	sshrl.u32 s6, $0x1;
	s14 =	sadd.s32 s7, s2;
	s15 =	sadd.s32 s7, s3  }
0xb: {  	s10 =	sadd.s32 s22, s5;
	s12 =	sadd.s32 s9, s5;
	s13 =	ssub.s32 s6, s30  }
0xc: {  	s6 =	sor.u32 $0x1C03, s31;
	s11 =	sadd.s32 s8, s5;
	s5 =	sadd.s32 $0x2C800, s10  }
0xd: {  	s7 =	sadd.s32 $0x18800, s10;
	s23 =	sadd.s32 $0x40800, s12;
	s10 =	smax.u32 s13, $0x1  }
0xe: {  	s12 =	simm.s32 $0x3;
	s13 =	sshrl.u32 s15, $0x3;
	s15 =	simm.s32 $0x80  }
0xf: {  	s8 =	sadd.s32 $0xCA00, s11;
	s9 =	sadd.s32 $0x2A00, s11;
	s11 =	sshrl.u32 s14, $0x3  }
0x10: {  	s14 =	simm.s32 $0x2800;
	s22 =	sadd.s32 s22, s23;
	s23 =	simm.s32 $0x0  }
.LBB2_1:
0x11: {  	[spmem:s11], [sflag:s6] =	dma.local [hbm:s5], $0x1400  }
0x12: {  	_ =	swait.ge [sflag:s12], $0x1400  }
0x13: {  	[sflag:s12] =	ssyncset.done $0x0  }
0x14: {  	[sflag:s12] =	ssyncadd.s32 $0xFFFFEC00  }
0x15: {  	[spmem:s13], [sflag:s6] =	dma.local [hbm:s7], $0x1400  }
0x16: {  	_ =	swait.ge [sflag:s12], $0x1400  }
0x17: {  	[sflag:s12] =	ssyncset.done $0x0  }
0x18: {  	[sflag:s12] =	ssyncadd.s32 $0xFFFFEC00  }
0x19: {  	[tilespmem:s4], [sflag:$0x3] =	stream.linear.gather [hbm4b:s8+s4], $0x2800, $0x38;
	[tilespmem:$0x1D000] =	vst v63  }
0x1a: {  	_ =	swait.ge [sflag:s12], $0x2800  }
0x1b: {  	[sflag:s12] =	ssyncset.done $0x0  }
0x1c: {  	[sflag:s12] =	ssyncadd.s32 $0xFFFFD800  }
0x1d: {  	[tilespmem:s14], [sflag:$0x3] =	stream.linear.gather [hbm4b:s9+s4], $0x2800, $0x38;
	[tilespmem:$0x1D000] =	vst v63  }
0x1e: {  	_ =	swait.ge [sflag:s12], $0x2800  }
0x1f: {  	[sflag:s12] =	ssyncset.done $0x0  }
0x20: {  	[sflag:s12] =	ssyncadd.s32 $0xFFFFD800  }
0x21: {  	[bflag:$0x0] =	sbarrier.arrive $0xFFFF  }
0x22: {  	[tilespmem:s16], [sflag:$0x1] =	stream.indirect.gather [spmem:s3], $0x40, s4, s15, $0xb8;
	[tilespmem:$0x1D000] =	vst v63  }
0x23: {  	_ = 	snop  }
0x24: {  	[tilespmem:s17], [sflag:$0x2] =	stream.indirect.gather [spmem:s3], $0x40, s15, s15, $0xb8;
	[tilespmem:$0x1D000] =	vst v63  }
0x25: {  	_ =	swait.ge [sflag:s18], $0x2000  }
0x26: {  	[sflag:s18] =	ssyncset.done $0x0  }
0x27: {  	s24 =	simm.s32 $0x2800;
	[sflag:s18] =	ssyncadd.s32 $0xFFFFE000  }
0x28: {  	[spmem:s2] =	stream.indirect.scatter.add.f32 [tilespmem:s16], [sflag:$0x3], $0x40, s24, s15, $0xb8;
	[tilespmem:$0x1D000] =	vst v63  }
0x29: {  	_ =	swait.ge [sflag:s12], $0x2000  }
0x2a: {  	[sflag:s12] =	ssyncset.done $0x0  }
0x2b: {  	s30 =	simm.s32 $0x100;
	[sflag:s12] =	ssyncadd.s32 $0xFFFFE000  }
0x2c: {  	[tilespmem:s16], [sflag:$0x1] =	stream.indirect.gather [spmem:s3], $0x40, s30, s15, $0xb8;
	[tilespmem:$0x1D000] =	vst v63  }
0x2d: {  	_ =	swait.ge [sflag:s19], $0x2000  }
0x2e: {  	[sflag:s19] =	ssyncset.done $0x0  }
0x2f: {  	s31 =	simm.s32 $0x2880;
	[sflag:s19] =	ssyncadd.s32 $0xFFFFE000  }
0x30: {  	[spmem:s2] =	stream.indirect.scatter.add.f32 [tilespmem:s17], [sflag:$0x3], $0x40, s31, s15, $0xb8;
	[tilespmem:$0x1D000] =	vst v63  }
0x31: {  	_ =	swait.ge [sflag:s12], $0x2000  }
0x32: {  	[sflag:s12] =	ssyncset.done $0x0  }
0x33: {  	s25 =	simm.s32 $0x180;
	s24 =	simm.s32 $0x400;
	[sflag:s12] =	ssyncadd.s32 $0xFFFFE000  }
.LBB2_2:
0x34: {  	[tilespmem:s17], [sflag:$0x2] =	stream.indirect.gather [spmem:s3], $0x40, s25, s15, $0xb8;
	[tilespmem:$0x1D000] =	vst v63  }
0x35: {  	s25 =	smov.u32 s24  }
0x36: {  	p0 =	sne.s32 s24, $0x9800;
	s24 =	sadd.s32 $0x400, s24;
	_ =	swait.ge [sflag:s18], $0x2000  }
0x37: {  	s25 =	sshra.s32 s25, $0x2;
	[sflag:s18] =	ssyncset.done $0x0  }
0x38: {  	s26 =	sadd.s32 $0x2800, s25;
	[sflag:s18] =	ssyncadd.s32 $0xFFFFE000  }
0x39: {  	[spmem:s2] =	stream.indirect.scatter.add.f32 [tilespmem:s16], [sflag:$0x3], $0x40, s26, s15, $0xb8;
	[tilespmem:$0x1D000] =	vst v63  }
0x3a: {  	_ =	swait.ge [sflag:s12], $0x2000  }
0x3b: {  	[sflag:s12] =	ssyncset.done $0x0  }
0x3c: {  	s26 =	sadd.s32 $0x100, s25;
	[sflag:s12] =	ssyncadd.s32 $0xFFFFE000  }
0x3d: {  	[tilespmem:s16], [sflag:$0x1] =	stream.indirect.gather [spmem:s3], $0x40, s26, s15, $0xb8;
	[tilespmem:$0x1D000] =	vst v63  }
0x3e: {  	_ =	swait.ge [sflag:s19], $0x2000  }
0x3f: {  	[sflag:s19] =	ssyncset.done $0x0  }
.Ltmp0:
0x40: {  	s26 =	sadd.s32 $0x2880, s25;
	[sflag:s19] =	ssyncadd.s32 $0xFFFFE000;
	(pc) =	sbr.rel @p0 .LBB2_2-.Ltmp0, $4  }
0x41: {  	[spmem:s2] =	stream.indirect.scatter.add.f32 [tilespmem:s17], [sflag:$0x3], $0x40, s26, s15, $0xb8;
	[tilespmem:$0x1D000] =	vst v63  }
0x42: {  	_ =	swait.ge [sflag:s12], $0x2000  }
0x43: {  	[sflag:s12] =	ssyncset.done $0x0  }
0x44: {  	s25 =	sadd.s32 $0x180, s25;
	[sflag:s12] =	ssyncadd.s32 $0xFFFFE000  }
0x45: {  	[tilespmem:s17], [sflag:$0x2] =	stream.indirect.gather [spmem:s3], $0x40, s25, s15, $0xb8;
	[tilespmem:$0x1D000] =	vst v63  }
0x46: {  	_ =	swait.ge [sflag:s18], $0x2000  }
0x47: {  	[sflag:s18] =	ssyncset.done $0x0  }
0x48: {  	[sflag:s18] =	ssyncadd.s32 $0xFFFFE000  }
0x49: {  	[spmem:s2] =	stream.indirect.scatter.add.f32 [tilespmem:s16], [sflag:$0x3], $0x40, s20, s15, $0xb8;
	[tilespmem:$0x1D000] =	vst v63  }
0x4a: {  	_ =	swait.ge [sflag:s12], $0x2000  }
0x4b: {  	[sflag:s12] =	ssyncset.done $0x0  }
0x4c: {  	[sflag:s12] =	ssyncadd.s32 $0xFFFFE000  }
0x4d: {  	_ =	swait.ge [sflag:s19], $0x2000  }
0x4e: {  	[sflag:s19] =	ssyncset.done $0x0  }
0x4f: {  	[sflag:s19] =	ssyncadd.s32 $0xFFFFE000  }
0x50: {  	[spmem:s2] =	stream.indirect.scatter.add.f32 [tilespmem:s17], [sflag:$0x3], $0x40, s21, s15, $0xb8;
	[tilespmem:$0x1D000] =	vst v63  }
0x51: {  	_ =	swait.ge [sflag:s12], $0x2000  }
0x52: {  	s23 =	sadd.s32 $0x1, s23;
	[sflag:s12] =	ssyncset.done $0x0  }
0x53: {  	p0 =	sne.s32 s23, s10;
	[sflag:s12] =	ssyncadd.s32 $0xFFFFE000  }
.Ltmp1:
0x54: {  	[bflag:$0x0] =	sbarrier.arrive $0xFFFF;
	(pc) =	sbr.rel @p0 .LBB2_1-.Ltmp1, $4  }
0x55: {  	[hbm:s22], [sflag:s6] =	dma.local [spmem:s11], $0x1400  }
0x56: {  	_ =	swait.ge [sflag:s12], $0x1400  }
0x57: {  	[sflag:s12] =	ssyncset.done $0x0  }
0x58: {  	[sflag:s12] =	ssyncadd.s32 $0xFFFFEC00  }
0x59: {  	_ =	sfence.sel $0x180000  }
0x5a: {  	[bflag:$0x0] =	sbarrier.arrive $0xFFFF  }
0x5b: {  	p0 =	sne.s32 s0, $0x0;
	_ =	strace $0x9000004D  }
0x5c: {  	s0 =	sadd.s32 @!p0 $0x100000, s1;
	[bflag:$0x2] =	sbarrier.arrive $0xFFFF  }
0x5d: {  	[sflag:s0] =	ssyncadd.tile.s32 @!p0 $0x1;
	_ =	shalt  }
.Lfunc_end2:
_tile_overlayer_lowered:
.L_overlay_start_2:
0x5e: {  	(tag) =	ssettag $0x2  }
0x5f: {  	s0 =	rddreg [dreg:$0x0];
	s2 =	stileid.u32  }
0x60: {  	s1 =	rddreg [dreg:$0x1];
	p0 =	sne.s32 s2, $0x0  }
0x61: {  	s3 =	rddreg [dreg:$0x2];
	[bflag:$0x3] =	sbarrier.arrive $0xFFFF;
	s2 =	simm.s32 @!p0 $0x1C03  }
0x62: {  	[timem:s3], [sflag:s2] =	dma.local @!p0 [hbm:s0], s1  }
0x63: {  	s0 =	simm.s32 @!p0 $0x3  }
0x64: {  	_ =	swait.ge @!p0 [sflag:s0], s1  }
0x65: {  	s1 =	ssub.s32 @!p0 $0x0, s1;
	[sflag:s0] =	ssyncset.done @!p0 $0x0  }
0x66: {  	[sflag:s0] =	ssyncadd.s32 @!p0 s1  }
0x67: {  	[bflag:$0x3] =	sbarrier.arrive $0xFFFF  }
0x68: {  	_ =	shalt  }

// kernel: kernel.19.cloned.1.call-start
scs
__scs_entry_jumppad:
0x0: {  	(pc) =	sbr.rel $0x88, $3  }
0x1: {  	(tag) =	ssettag $0x0;
	lr =	simm.s32 $0x1  }
0x2: {  	[smem:$0x3F95] =	sst lr;
	_ =	strace $0xD0000000  }
0x3: {  	_ = 	snop  }
0x4: {  	_ = 	snop  }
0x5: {  	_ = 	snop  }
0x6: {  	_ = 	snop  }
0x7: {  	_ = 	snop  }
__scs_overlays_trampoline_lowered:
0x8: {  	[smem:$0x3FA4] =	sst s0  }
0x9: {  	[smem:$0x3FA5] =	sst s1  }
0xa: {  	[smem:$0x3FA6] =	sst s2  }
0xb: {  	[smem:$0x3FA7] =	sst s3  }
0xc: {  	[smem:$0x3FA8] =	sst s4  }
0xd: {  	[smem:$0x3FA9] =	sst s5  }
0xe: {  	[smem:$0x3FAA] =	sst s6  }
0xf: {  	[smem:$0x3FAB] =	sst s7  }
0x10: {  	[smem:$0x3FAC] =	sst s8  }
0x11: {  	[smem:$0x3FAD] =	sst s9;
	s0 =	simm.s32 @!p0 $0x0  }
0x12: {  	s1 =	sld [smem:$0x3F93];
	s0 =	simm.s32 @p0 $0x1  }
0x13: {  	[smem:$0x3FAE] =	sst s0;
	s0 =	simm.s32 @!p1 $0x0  }
0x14: {  	s2 =	sld [smem:$0x3F92];
	s0 =	simm.s32 @p1 $0x1  }
0x15: {  	[smem:$0x3FAF] =	sst s0;
	s0 =	simm.s32 @!p2 $0x0  }
0x16: {  	s3 =	sld [smem:$0x3FDB];
	s0 =	simm.s32 @p2 $0x1  }
0x17: {  	s4 =	simm.s32 $0x1BF5;
	[smem:$0x3FB1] =	sst s0  }
0x18: {  	s0 =	sld [smem:$0x3F94];
	_ =	swait.ge [sflag:s4], $0x0  }
0x19: {  	s7 =	sld [smem:$0x3F95]  }
0x1a: {  	s8 =	sadd.s32 $0xFFFFE003, lr  }
0x1b: {  	s9 =	sadd.s32 $0xFFFFFEF7, lr;
	s5 =	simm.s32 $0xFFFFFFFF;
	p2 =	slt.u32 s8, $0xFFFFF086  }
0x1c: {  	p1 =	slt.u32 s9, $0xF7A;
	s5 =	simm.s32 @!p2 $0x0  }
0x1d: {  	s5 =	simm.s32 @p1 $0x1;
	p0 =	seq.s32 s7, s2  }
0x1e: {  	s7 =	smul.u32 @!p0 $0xF7A, s2;
	p2 =	seq.s32 @!p0 s5, $0x0  }
0x1f: {  	s9 =	smul.u32 $0xF7A, s1;
	s8 =	simm.s32 @!p0 $0x1BF5;
	p2 =	por !p2, p0  }
0x20: {  	[sflag:s8] =	ssyncset.s32 @!p0 $0xFFFFF086;
	s6 =	sadd.s32 @!p0 s3, s7;
	s7 =	simm.s32 @!p0 $0x108  }
0x21: {  	s3 =	sadd.s32 s3, s9;
	s6 =	sadd.s32 @!p0 $0x88, s6;
	s7 =	simm.s32 @p2 $0x1082  }
0x22: {  	[simem:s7], [sflag:s8] =	dma.local @!p0 [hbm:s6], $0xF7A  }
0x23: {  	s9 =	sor.u32 $0xD0000000, s2;
	s6 =	simm.s32 $0x108;
	_ =	swait.ge @!p0 [sflag:s8], $0x0  }
0x24: {  	s3 =	sadd.s32 $0x88, s3;
	s6 =	simm.s32 @!p1 $0x1082;
	[sflag:s4] =	ssyncset.s32 $0xFFFFF086  }
0x25: {  	[simem:s6], [sflag:s4] =	dma.local [hbm:s3], $0xF7A  }
0x26: {  	[smem:$0x3F95] =	sst s1;
	(tag) =	ssettag s2;
	_ =	strace s9  }
0x27: {  	s1 =	sld [smem:$0x3FA5]  }
0x28: {  	s2 =	sld [smem:$0x3FA6]  }
0x29: {  	s4 =	sld [smem:$0x3FA8]  }
0x2a: {  	p0 =	seq.s32 s5, $0x0;
	s5 =	sld [smem:$0x3FA9]  }
0x2b: {  	s6 =	sld [smem:$0x3FAA]  }
0x2c: {  	s7 =	sld [smem:$0x3FAB]  }
0x2d: {  	s3 =	simm.s32 $0x108;
	s8 =	sld [smem:$0x3FAC]  }
0x2e: {  	s3 =	simm.s32 @!p0 $0x1082;
	s9 =	sld [smem:$0x3FAD]  }
0x2f: {  	lr =	sadd.s32 s0, s3;
	s0 =	sld [smem:$0x3FA4]  }
0x30: {  	s3 =	sld [smem:$0x3FA7]  }
0x31: {  	[smem:$0x3FB0] =	sst s10  }
0x32: {  	s10 =	sld [smem:$0x3FAE];
	_ =	sdelay $0x3  }
0x33: {  	p0 =	seq.s32 s10, $0x1;
	s10 =	sld [smem:$0x3FB0];
	_ =	sdelay $0x3  }
0x34: {  	[smem:$0x3FB0] =	sst s10  }
0x35: {  	s10 =	sld [smem:$0x3FAF];
	_ =	sdelay $0x3  }
0x36: {  	p1 =	seq.s32 s10, $0x1;
	s10 =	sld [smem:$0x3FB0];
	_ =	sdelay $0x3  }
0x37: {  	[smem:$0x3FB0] =	sst s10  }
0x38: {  	s10 =	sld [smem:$0x3FB1]  }
0x39: {  	_ = 	snop;
	(pc) =	sbr.ind lr, $3  }
0x3a: {  	_ = 	snop  }
0x3b: {  	_ = 	snop  }
0x3c: {  	p2 =	seq.s32 s10, $0x1;
	s10 =	sld [smem:$0x3FB0]  }
0x3d: {  	_ =	shalt  }
0x3e: {  	_ =	shalt  }
0x3f: {  	_ =	shalt  }
0x40: {  	_ =	shalt  }
0x41: {  	_ =	shalt  }
0x42: {  	_ =	shalt  }
0x43: {  	_ =	shalt  }
0x44: {  	_ =	shalt  }
0x45: {  	_ =	shalt  }
0x46: {  	_ =	shalt  }
0x47: {  	_ =	shalt  }
0x48: {  	_ =	shalt  }
0x49: {  	_ =	shalt  }
0x4a: {  	_ =	shalt  }
0x4b: {  	_ =	shalt  }
0x4c: {  	_ =	shalt  }
0x4d: {  	_ =	shalt  }
0x4e: {  	_ =	shalt  }
0x4f: {  	_ =	shalt  }
0x50: {  	_ =	shalt  }
0x51: {  	_ =	shalt  }
0x52: {  	_ =	shalt  }
0x53: {  	_ =	shalt  }
0x54: {  	_ =	shalt  }
0x55: {  	_ =	shalt  }
0x56: {  	_ =	shalt  }
0x57: {  	_ =	shalt  }
0x58: {  	_ =	shalt  }
0x59: {  	_ =	shalt  }
0x5a: {  	_ =	shalt  }
0x5b: {  	_ =	shalt  }
0x5c: {  	_ =	shalt  }
0x5d: {  	_ =	shalt  }
0x5e: {  	_ =	shalt  }
0x5f: {  	_ =	shalt  }
0x60: {  	_ =	shalt  }
0x61: {  	_ =	shalt  }
0x62: {  	_ =	shalt  }
0x63: {  	_ =	shalt  }
0x64: {  	_ =	shalt  }
0x65: {  	_ =	shalt  }
0x66: {  	_ =	shalt  }
0x67: {  	_ =	shalt  }
0x68: {  	_ =	shalt  }
0x69: {  	_ =	shalt  }
0x6a: {  	_ =	shalt  }
0x6b: {  	_ =	shalt  }
0x6c: {  	_ =	shalt  }
0x6d: {  	_ =	shalt  }
0x6e: {  	_ =	shalt  }
0x6f: {  	_ =	shalt  }
0x70: {  	_ =	shalt  }
0x71: {  	_ =	shalt  }
0x72: {  	_ =	shalt  }
0x73: {  	_ =	shalt  }
0x74: {  	_ =	shalt  }
0x75: {  	_ =	shalt  }
0x76: {  	_ =	shalt  }
0x77: {  	_ =	shalt  }
0x78: {  	_ =	shalt  }
0x79: {  	_ =	shalt  }
0x7a: {  	_ =	shalt  }
0x7b: {  	_ =	shalt  }
0x7c: {  	_ =	shalt  }
0x7d: {  	_ =	shalt  }
0x7e: {  	_ =	shalt  }
0x7f: {  	_ =	shalt  }
0x80: {  	_ =	shalt  }
0x81: {  	_ =	shalt  }
0x82: {  	_ =	shalt  }
0x83: {  	_ =	shalt  }
0x84: {  	_ =	shalt  }
0x85: {  	_ =	shalt  }
0x86: {  	_ =	shalt  }
0x87: {  	_ =	shalt  }
.Lfunc_end0:
.L_simem_size_0:
called_computation.3_lowered:
.L_overlay_start_0:
0x88: {  	s2 =	sld [smem:$0x3FD9]  }
0x89: {  	s3 =	sld [smem:$0x3FFE];
	_ =	sdelay $0x1  }
0x8a: {  	s1 =	srdreg.scid  }
0x8b: {  	s0 =	sand.u32 $0x1, s1  }
0x8c: {  	s16 =	sshll.u32 s0, $0xA;
	s2 =	sadd.s32 s3, s2  }
0x8d: {  	s2 =	sadd.s32 s2, s16  }
0x8e: {  	[smem:$0x3FBC] =	sst s2  }
0x8f: {  	_ = 	snop  }
0x90: {  	(tm) =	ssettm $0x1  }
0x91: {  	s17 =	sld [smem:$0x3FFB];
	_ =	sdelay $0x3  }
0x92: {  	_ =	strace s17  }
0x93: {  	s2 =	sld [smem:$0x3FFC];
	_ =	sdelay $0x3  }
0x94: {  	_ =	strace s2  }
0x95: {  	s2 =	sld [smem:$0x3FFD];
	_ =	sdelay $0x3  }
0x96: {  	_ =	strace s2  }
0x97: {  	_ =	strace $0x8FFFFFFF  }
0x98: {  	s18 =	sld [smem:$0x3FDB];
	_ =	sdelay $0x1  }
0x99: {  	s19 =	simm.s32 $_scs_section_size  }
0x9a: {  	s4 =	simm.s32 $_size__tile_overlayer_lowered;
	s5 =	simm.s32 $_tile_overlayer_lowered  }
0x9b: {  	s22 =	simm.s32 $0x1BFF;
	s21 =	sshll.u32 s5, $0x1;
	s2 =	sadd.s32 s19, s18  }
0x9c: {  	s6 =	simm.s32 $0x0;
	s20 =	sshll.u32 s4, $0x1;
	s4 =	sadd.s32 s21, s2  }
0x9d: {  	[timem:s6], [sflag:s22] =	dma.local [hbm:s4], s20  }
0x9e: {  	_ =	swait.ge [sflag:s22], s20  }
0x9f: {  	s3 =	ssub.s32 $0x0, s20;
	[sflag:s22] =	ssyncset.done $0x0  }
0xa0: {  	[sflag:s22] =	ssyncadd.s32 s3;
	_ =	sdelay $0x1  }
0xa1: {  	s23 =	simm.s32 $0x1B8B  }
0xa2: {  	_ =	swait.ge [sflag:s23], $0x1  }
0xa3: {  	[sflag:s23] =	ssyncset.done $0x0  }
0xa4: {  	s25 =	simm.s32 $0x1B8E;
	s24 =	sld [smem:$0x3FFE];
	[sflag:s23] =	ssyncadd.s32 $0xFFFFFFFF  }
0xa5: {  	s26 =	simm.s32 $execute0_lowered;
	[smem:$0x3FD2] =	sst s25  }
0xa6: {  	s4 =	sshll.u32 s26, $0x1;
	_ =	strace $0x8000004F;
	[dreg:$0x1] =	wrdreg $0xFFFFFFFF  }
0xa7: {  	s28 =	simm.s32 $_size_execute0_lowered;
	s2 =	sadd.s32 s2, s4;
	[dreg:$0x0] =	wrdreg $0x0  }
0xa8: {  	s4 =	sshll.u32 s28, $0x1;
	[dreg:$0x2] =	wrdreg s2  }
0xa9: {  	[dreg:$0x3] =	wrdreg s4  }
0xaa: {  	[dreg:$0x4] =	wrdreg $0xC0  }
0xab: {  	_ =	task [dreg:s6], $0x5FFFF  }
0xac: {  	[dreg:$0x1] =	wrdreg $0xFFFFFFFF  }
0xad: {  	[dreg:$0x0] =	wrdreg $0x60  }
0xae: {  	[dreg:$0x2] =	wrdreg s24  }
0xaf: {  	[dreg:$0x3] =	wrdreg $0x78000  }
0xb0: {  	[dreg:$0x4] =	wrdreg $0x7A800  }
0xb1: {  	[dreg:$0x5] =	wrdreg $0x9  }
0xb2: {  	_ =	task.clear_ibuf [dreg:s6], $0x6FFFF;
	_ =	strace $0x9000004F  }
0xb3: {  	s29 =	simm.s32 $0x9;
	_ =	strace $0x80000051  }
0xb4: {  	_ =	swait.ge [sflag:s29], $0x1  }
0xb5: {  	[sflag:s29] =	ssyncadd.s32 $0xFFFFFFFF  }
0xb6: {  	_ =	strace $0x90000051  }
0xb7: {  	_ =	sfence  }
0xb8: {  	s30 =	sld [smem:$0x0];
	_ =	sdelay $0x2  }
0xb9: {  	s31 =	sshll.u32 s1, $0xD;
	s1 =	sshrl.u32 s1, $0x2  }
0xba: {  	s3 =	sand.u32 $0x4000, s31;
	s1 =	sadd.s32 s1, s30  }
0xbb: {  	s0 =	sor.u32 s3, s0;
	s1 =	sshll.u32 s1, $0x11  }
0xbc: {  	s0 =	sor.u32 s1, s0  }
0xbd: {  	s0 =	sadd.s32 $0x8F2B, s0  }
0xbe: {  	[sflag:s0] =	ssyncadd.remote.s32 $0x1  }
0xbf: {  	_ =	sfence.sel $0xFFFF  }
0xc0: {  	[dreg:$0x0] =	wrdreg $0xFFFFFFFF;
	(pc) =	sbr.abs _section_cstart, $3  }
0xc1: {  	[dreg:$0x1] =	wrdreg $0xFFFFFFFF  }
0xc2: {  	_ =	task.clear_ibuf [dreg:s6], $0x2FFFF;
	_ =	strace $0x9FFFFFFF  }
0xc3: {  	(tm) =	ssettm $0x7FFFFFFF  }
tec
execute0_lowered:
.L_overlay_start_1:
0x0: {  	(tag) =	ssettag $0x1  }
0x1: {  	s16 =	rddreg [dreg:$0x0]  }
0x2: {  	s2 =	rddreg [dreg:$0x1]  }
0x3: {  	s3 =	rddreg [dreg:$0x2]  }
0x4: {  	s1 =	stileid.u32;
	s0 =	rddreg [dreg:$0x3]  }
0x5: {  	s4 =	simm.s32 $0x0;
	s5 =	srdreg.scid;
	s9 =	smul.u32 $0x280, s1  }
0x6: {  	[smem:$0x7FF] =	sst s4;
	s18 =	sand.u32 $0x1, s5;
	s11 =	sshll.u32 s1, $0x1  }
0x7: {  	s6 =	sshll.u32 s1, $0x6;
	_ =	strace $0x80000050;
	s17 =	sshrl.u32 s9, $0x3  }
0x8: {  	s6 =	sor.u32 $0x1C02, s6;
	s7 =	sadd.s32 s9, s2;
	s10 =	sadd.s32 s17, s16  }
0x9: {  	s8 =	sshrl.u32 s7, $0x3;
	s7 =	simm.s32 $0x2;
	s5 =	sadd.s32 $0x16A00, s10  }
0xa: {  	[spmem:s8], [sflag:s6] =	dma.local [hbm:s5], $0x50  }
0xb: {  	s11 =	sor.u32 s18, s11;
	_ =	swait.ge [sflag:s7], $0x50  }
0xc: {  	s11 =	smul.u32 $0x500, s11;
	s12 =	sadd.s32 s9, s3;
	[sflag:s7] =	ssyncset.done $0x0  }
0xd: {  	s9 =	sadd.s32 $0x17000, s10;
	s10 =	sshrl.u32 s12, $0x3;
	[sflag:s7] =	ssyncadd.s32 $0xFFFFFFB0  }
0xe: {  	[spmem:s10], [sflag:s6] =	dma.local [hbm:s9], $0x50  }
0xf: {  	_ =	swait.ge [sflag:s7], $0x50  }
0x10: {  	s30 =	sadd.s32 s11, s16;
	[sflag:s7] =	ssyncset.done $0x0  }
0x11: {  	s11 =	sadd.s32 $0xCA00, s30;
	[sflag:s7] =	ssyncadd.s32 $0xFFFFFFB0  }
0x12: {  	[tilespmem:s4], [sflag:$0x2] =	stream.linear.gather [hbm4b:s11+s4], $0x2800, $0x38;
	[tilespmem:$0x7D00] =	vst v63  }
0x13: {  	_ =	swait.ge [sflag:s7], $0x2800  }
0x14: {  	[sflag:s7] =	ssyncset.done $0x0  }
0x15: {  	s13 =	simm.s32 $0x2800;
	s12 =	sadd.s32 $0x2A00, s30;
	[sflag:s7] =	ssyncadd.s32 $0xFFFFD800  }
0x16: {  	[tilespmem:s13], [sflag:$0x2] =	stream.linear.gather [hbm4b:s12+s4], $0x2800, $0x38;
	[tilespmem:$0x7D00] =	vst v63  }
0x17: {  	_ =	swait.ge [sflag:s7], $0x2800  }
0x18: {  	[sflag:s7] =	ssyncset.done $0x0  }
0x19: {  	[sflag:s7] =	ssyncadd.s32 $0xFFFFD800  }
0x1a: {  	s14 =	simm.s32 $0x5000;
	s15 =	simm.s32 $0x1;
	[bflag:$0x0] =	sbarrier.arrive $0xFFFF  }
0x1b: {  	[tilespmem:s14], [sflag:$0x1] =	stream.indirect.gather [spmem:s3], $0x1, s4, s13, $0xb8;
	[tilespmem:$0x7D00] =	vst v63  }
0x1c: {  	s19 =	smul.u32 $0x500, s18;
	s18 =	ssub.s32 $0x2, s18;
	_ =	swait.ge [sflag:s15], $0x2800  }
0x1d: {  	s31 =	sshrl.u32 s18, $0x1;
	[sflag:s15] =	ssyncset.done $0x0  }
0x1e: {  	s18 =	ssub.s32 s18, s31;
	[sflag:s15] =	ssyncadd.s32 $0xFFFFD800  }
0x1f: {  	[spmem:s2] =	stream.indirect.scatter.add.f32 [tilespmem:s14], [sflag:$0x2], $0x1, s13, s13, $0xb8;
	[tilespmem:$0x7D00] =	vst v63  }
0x20: {  	s18 =	smax.u32 s18, $0x1;
	_ =	swait.ge [sflag:s7], $0x2800  }
0x21: {  	s16 =	sadd.s32 s19, s16;
	p0 =	sne.s32 s18, $0x1;
	[sflag:s7] =	ssyncset.done $0x0  }
.Ltmp0:
0x22: {  	s16 =	sadd.s32 $0x17600, s16;
	[sflag:s7] =	ssyncadd.s32 $0xFFFFD800;
	(pc) =	sbr.rel @!p0 .LBB2_2-.Ltmp0, $4  }
0x23: {  	s16 =	sadd.s32 s17, s16;
	[bflag:$0x0] =	sbarrier.arrive $0xFFFF  }
0x24: {  	[hbm:s16], [sflag:s6] =	dma.local [spmem:s8], $0x50  }
0x25: {  	_ =	swait.ge [sflag:s7], $0x50  }
0x26: {  	s17 =	sadd.s32 $0xFFFFFFFF, s18;
	[sflag:s7] =	ssyncset.done $0x0  }
.LBB2_1:
0x27: {  	p0 =	sne.s32 s17, $0x1;
	s17 =	sadd.s32 $0xFFFFFFFF, s17;
	[sflag:s7] =	ssyncadd.s32 $0xFFFFFFB0  }
0x28: {  	[spmem:s8], [sflag:s6] =	dma.local [hbm:s5], $0x50  }
0x29: {  	_ =	swait.ge [sflag:s7], $0x50  }
0x2a: {  	[sflag:s7] =	ssyncset.done $0x0  }
0x2b: {  	[sflag:s7] =	ssyncadd.s32 $0xFFFFFFB0  }
0x2c: {  	[spmem:s10], [sflag:s6] =	dma.local [hbm:s9], $0x50  }
0x2d: {  	_ =	swait.ge [sflag:s7], $0x50  }
0x2e: {  	[sflag:s7] =	ssyncset.done $0x0  }
0x2f: {  	[sflag:s7] =	ssyncadd.s32 $0xFFFFFFB0  }
0x30: {  	[tilespmem:s4], [sflag:$0x2] =	stream.linear.gather [hbm4b:s11+s4], $0x2800, $0x38;
	[tilespmem:$0x7D00] =	vst v63  }
0x31: {  	_ =	swait.ge [sflag:s7], $0x2800  }
0x32: {  	[sflag:s7] =	ssyncset.done $0x0  }
0x33: {  	[sflag:s7] =	ssyncadd.s32 $0xFFFFD800  }
0x34: {  	[tilespmem:s13], [sflag:$0x2] =	stream.linear.gather [hbm4b:s12+s4], $0x2800, $0x38;
	[tilespmem:$0x7D00] =	vst v63  }
0x35: {  	_ =	swait.ge [sflag:s7], $0x2800  }
0x36: {  	[sflag:s7] =	ssyncset.done $0x0  }
0x37: {  	[sflag:s7] =	ssyncadd.s32 $0xFFFFD800  }
0x38: {  	[bflag:$0x0] =	sbarrier.arrive $0xFFFF  }
0x39: {  	[tilespmem:s14], [sflag:$0x1] =	stream.indirect.gather [spmem:s3], $0x1, s4, s13, $0xb8;
	[tilespmem:$0x7D00] =	vst v63  }
0x3a: {  	_ =	swait.ge [sflag:s15], $0x2800  }
0x3b: {  	[sflag:s15] =	ssyncset.done $0x0  }
0x3c: {  	[sflag:s15] =	ssyncadd.s32 $0xFFFFD800  }
0x3d: {  	[spmem:s2] =	stream.indirect.scatter.add.f32 [tilespmem:s14], [sflag:$0x2], $0x1, s13, s13, $0xb8;
	[tilespmem:$0x7D00] =	vst v63  }
0x3e: {  	_ =	swait.ge [sflag:s7], $0x2800  }
0x3f: {  	[sflag:s7] =	ssyncset.done $0x0  }
.Ltmp1:
0x40: {  	[sflag:s7] =	ssyncadd.s32 $0xFFFFD800;
	(pc) =	sbr.rel @p0 .LBB2_1-.Ltmp1, $4  }
0x41: {  	[bflag:$0x0] =	sbarrier.arrive $0xFFFF  }
0x42: {  	[hbm:s16], [sflag:s6] =	dma.local [spmem:s8], $0x50  }
0x43: {  	_ =	swait.ge [sflag:s7], $0x50  }
0x44: {  	[sflag:s7] =	ssyncset.done $0x0  }
.LBB2_2:
0x45: {  	[sflag:s7] =	ssyncadd.s32 $0xFFFFFFB0  }
0x46: {  	_ =	sfence.sel $0x180000  }
0x47: {  	[bflag:$0x0] =	sbarrier.arrive $0xFFFF  }
0x48: {  	p0 =	sne.s32 s1, $0x0;
	_ =	strace $0x90000050  }
0x49: {  	s0 =	sadd.s32 @!p0 $0x100000, s0;
	[bflag:$0x2] =	sbarrier.arrive $0xFFFF  }
0x4a: {  	[sflag:s0] =	ssyncadd.tile.s32 @!p0 $0x1;
	_ =	shalt  }
.Lfunc_end2:
_tile_overlayer_lowered:
.L_overlay_start_2:
0x4b: {  	(tag) =	ssettag $0x2  }
0x4c: {  	s0 =	rddreg [dreg:$0x0];
	s2 =	stileid.u32  }
0x4d: {  	s1 =	rddreg [dreg:$0x1];
	p0 =	sne.s32 s2, $0x0  }
0x4e: {  	s3 =	rddreg [dreg:$0x2];
	[bflag:$0x3] =	sbarrier.arrive $0xFFFF;
	s2 =	simm.s32 @!p0 $0x1C02  }
0x4f: {  	[timem:s3], [sflag:s2] =	dma.local @!p0 [hbm:s0], s1  }
0x50: {  	s0 =	simm.s32 @!p0 $0x2  }
0x51: {  	_ =	swait.ge @!p0 [sflag:s0], s1  }
0x52: {  	s1 =	ssub.s32 @!p0 $0x0, s1;
	[sflag:s0] =	ssyncset.done @!p0 $0x0  }
0x53: {  	[sflag:s0] =	ssyncadd.s32 @!p0 s1  }
0x54: {  	[bflag:$0x3] =	sbarrier.arrive $0xFFFF  }
0x55: {  	_ =	shalt  }

</sc_bundles>
